<compile_context>
chip_gen: v7x
topology: tpu7x:2x2x1
jax: 0.10.2.dev20260603
libtpu: 0.0.44.dev20260713+nightly
codegen_flags: <defaults>
</compile_context>

<pallas_src>
import functools

import jax
import jax.numpy as jnp
from jax import lax
from jax.experimental import pallas as pl
from jax.experimental.pallas import tpu as pltpu
from jax.experimental.pallas import tpu_sc as plsc

LANES = 16


def _sc_pooled_sum(x_chunks, emb_table, *, n_chunks_per_row, chunk):
    total_chunks, _ = x_chunks.shape
    B = total_chunks // n_chunks_per_row
    V, D = emb_table.shape
    n_groups = D // LANES

    mesh = plsc.VectorSubcoreMesh(core_axis_name="c", subcore_axis_name="s")
    NC, NS = mesh.num_cores, mesh.num_subcores
    NW = NC * NS
    rows_per_w = B // NW
    chunks_per_w = rows_per_w * n_chunks_per_row

    UNROLL = 4
    assert chunk % UNROLL == 0

    NBUF = 4
    assert n_chunks_per_row == 2 and rows_per_w % 2 == 0

    @functools.partial(
        pl.kernel,
        out_type=jax.ShapeDtypeStruct((B, D), jnp.float32),
        mesh=mesh,
        compiler_params=pltpu.CompilerParams(use_tc_tiling_on_sc=False),
        scratch_types=(
            [pltpu.VMEM((chunks_per_w, chunk), jnp.int32)]
            + [pltpu.VMEM((chunk, D), jnp.float32) for _ in range(NBUF)]
            + [pltpu.VMEM((rows_per_w, D), jnp.float32)]
            + [pltpu.SemaphoreType.DMA for _ in range(NBUF)]
        ),
    )
    def sc_kernel(idx_hbm, table_hbm, out_hbm, idx_v, b0, b1, b2, b3,
                  out_v, s0, s1, s2, s3):
        bufs = [b0, b1, b2, b3]
        sems = [s0, s1, s2, s3]
        c = lax.axis_index("c")
        s = lax.axis_index("s")
        wid = s * NC + c
        row0 = wid * rows_per_w
        chunk0 = wid * chunks_per_w

        pltpu.sync_copy(idx_hbm.at[pl.ds(chunk0, chunks_per_w)], idx_v)

        def start_gather(j, buf, sem):
            pltpu.make_async_copy(table_hbm.at[idx_v.at[j]], buf, sem).start()

        def wait_gather(j, buf, sem):
            pltpu.make_async_copy(table_hbm.at[idx_v.at[j]], buf, sem).wait()

        def accumulate(buf, accs):
            def step(r, a):
                a = list(a)
                for rr in range(UNROLL):
                    row = r * UNROLL + rr
                    for g in range(n_groups):
                        a[g] = a[g] + buf[row, pl.ds(g * LANES, LANES)]
                return tuple(a)

            return lax.fori_loop(0, chunk // UNROLL, step, accs)

        for cc in range(NBUF - 1):
            start_gather(cc, bufs[cc], sems[cc])

        zeros = tuple(jnp.zeros((LANES,), jnp.float32)
                      for _ in range(n_groups))

        @pl.loop(0, rows_per_w // 2)
        def _(i2):
            j0 = i2 * NBUF
            accs = zeros
            for cc in range(NBUF):
                j = j0 + cc
                wait_gather(j, bufs[cc], sems[cc])
                nb = (cc + NBUF - 1) % NBUF

                @pl.when(j + NBUF - 1 < chunks_per_w)
                def _(j=j, nb=nb):
                    start_gather(j + NBUF - 1, bufs[nb], sems[nb])

                accs = accumulate(bufs[cc], accs)
                if cc % n_chunks_per_row == n_chunks_per_row - 1:
                    i = i2 * 2 + cc // n_chunks_per_row
                    for g in range(n_groups):
                        out_v[i, pl.ds(g * LANES, LANES)] = accs[g]
                    accs = zeros

        pltpu.sync_copy(out_v, out_hbm.at[pl.ds(row0, rows_per_w)])

    return sc_kernel(x_chunks, emb_table)


FOLD_PAIR = 8192


def _tc_fold(tT):
    D, V = tT.shape
    P = FOLD_PAIR
    grid = -(-V // (2 * P))
    H = grid * P

    def fold_kernel(in_ref, o_ref):
        s = jnp.concatenate([in_ref[:, 0:P], in_ref[:, P:2 * P]], axis=0)
        o_ref[...] = s.T

    return pl.pallas_call(
        fold_kernel,
        grid=(grid,),
        in_specs=[pl.BlockSpec((D, 2 * P), lambda i: (0, i))],
        out_specs=pl.BlockSpec((P, 2 * D), lambda i: (i, 0)),
        out_shape=jax.ShapeDtypeStruct((H, 2 * D), jnp.float32),
        compiler_params=pltpu.CompilerParams(
            fuse_transposed_lhs_in_matmul=True),
    )(tT)


def _tc_head(pooled, W, b2, label2, *, seq_len):
    B, D = pooled.shape
    C = W.shape[0]

    def head_kernel(p_ref, w_ref, b_ref, l_ref, o_ref):
        y = jnp.dot(p_ref[...], w_ref[...].T,
                    preferred_element_type=jnp.float32)
        y = y * (1.0 / seq_len) + b_ref[...]
        m = jnp.max(y, axis=1, keepdims=True)
        lse = jnp.log(jnp.sum(jnp.exp(y - m), axis=1, keepdims=True)) + m
        onehot = lax.broadcasted_iota(jnp.int32, y.shape, 1) == l_ref[...]
        ylab = jnp.sum(jnp.where(onehot, y, 0.0), axis=1, keepdims=True)
        o_ref[...] = jnp.sum(lse - ylab, axis=0, keepdims=True) * (1.0 / B)

    return pl.pallas_call(
        head_kernel,
        out_shape=jax.ShapeDtypeStruct((1, 1), jnp.float32),
    )(pooled, W, b2, label2)


def kernel(x, label, emb_table, W, b):
    B, S = x.shape
    V, D = emb_table.shape

    folded = _tc_fold(emb_table.T)
    table_rm = folded.reshape(-1, D)
    P = FOLD_PAIR
    x_remap = (x & ~(2 * P - 1)) + 2 * (x & (P - 1)) + ((x // P) & 1)

    n_chunks_per_row = -(-S // 128)
    assert S % n_chunks_per_row == 0
    chunk = S // n_chunks_per_row
    x_chunks = x_remap.reshape(B * n_chunks_per_row, chunk)

    pooled = _sc_pooled_sum(x_chunks, table_rm,
                            n_chunks_per_row=n_chunks_per_row, chunk=chunk)

    loss = _tc_head(pooled, W, b.reshape(1, -1).astype(jnp.float32),
                    label.reshape(B, 1).astype(jnp.int32), seq_len=S)
    return loss.reshape(())

# --- scband reference (transcript-rebuilt; emitter-appended) ---
"""Pipeline reference for scband-model-54898271977570 (READ-ONLY COPY).

The authoritative reference and input builder live on the scoring server;
editing this copy changes nothing except your own understanding.
"""

import jax, jax.numpy as jnp
import numpy as np

VOCAB = 1000000
EMB_DIM = 64
CLASS_NUM = 128
BATCH = 4096
SEQ = 200

def setup_inputs(seed: int = 0) -> dict:
    key = jax.random.key(seed)
    k1, k2, k3, k4 = jax.random.split(key, 4)
    x = jax.random.randint(k1, (BATCH, SEQ), 0, VOCAB, dtype=jnp.int32)
    label = jax.random.randint(k2, (BATCH,), 0, CLASS_NUM, dtype=jnp.int32)
    emb_table = jax.random.normal(k3, (VOCAB, EMB_DIM), dtype=jnp.float32)
    W = jax.random.normal(k4, (CLASS_NUM, EMB_DIM), dtype=jnp.float32) * (1.0 / np.sqrt(EMB_DIM))
    b = jnp.zeros((CLASS_NUM,), dtype=jnp.float32)
    return {"x": x, "label": label, "emb_table": emb_table, "W": W, "b": b}

def reference(x, label, emb_table, W, b):
    # embedding lookup: gather rows from the table
    e = jnp.take(emb_table, x, axis=0)            # [B, L, D]
    # linear head
    y = e @ W.T + b                                # [B, L, C]
    # mean over sequence dim
    y = jnp.mean(y, axis=1)                        # [B, C]
    # cross-entropy loss (mean reduction), matching nn.CrossEntropyLoss
    logp = jax.nn.log_softmax(y, axis=-1)
    nll = -jnp.take_along_axis(logp, label[:, None].astype(jnp.int32), axis=-1)[:, 0]
    return jnp.mean(nll)

if __name__ == "__main__":
    import jax
    _d = setup_inputs()
    print(jax.jit(kernel)(*tuple(_d.values())))

</pallas_src>

<mosaic_0001>
#map = affine_map<(d0, d1) -> (0, 0)>
module attributes {stable_mosaic.version = 14 : i64} {
  func.func @sc_kernel(%arg0: i32, %arg1: i32, %arg2: memref<8192x100xi32, #tpu.memory_space<hbm>>, %arg3: memref<1015808x64xf32, #tpu.memory_space<hbm>>, %arg4: memref<4096x64xf32, #tpu.memory_space<hbm>>, %arg5: memref<256x100xi32, #tpu.memory_space<vmem>>, %arg6: memref<100x64xf32, #tpu.memory_space<vmem>>, %arg7: memref<100x64xf32, #tpu.memory_space<vmem>>, %arg8: memref<100x64xf32, #tpu.memory_space<vmem>>, %arg9: memref<100x64xf32, #tpu.memory_space<vmem>>, %arg10: memref<128x64xf32, #tpu.memory_space<vmem>>, %arg11: memref<!tpu.dma_semaphore, #tpu.memory_space<semaphore_mem>>, %arg12: memref<!tpu.dma_semaphore, #tpu.memory_space<semaphore_mem>>, %arg13: memref<!tpu.dma_semaphore, #tpu.memory_space<semaphore_mem>>, %arg14: memref<!tpu.dma_semaphore, #tpu.memory_space<semaphore_mem>>) attributes {dimension_semantics = [#tpu.dimension_semantics<core_parallel>, #tpu.dimension_semantics<subcore_parallel>], iteration_bounds = array<i64: 2, 16>, scalar_prefetch = 0 : i64, scratch_operands = 10 : i64, tpu.core_type = #tpu.core_type<sc_vector_subcore>, window_params = [{transform_indices = #map}, {transform_indices = #map}, {transform_indices = #map}]} {
    %mul3A = arith.constant 2 : i32
    %mul3A_0 = arith.muli %arg1, %mul3A : i32
    %add3A = arith.addi %mul3A_0, %arg0 : i32
    %mul3A_1 = arith.constant 128 : i32
    %mul3A_2 = arith.muli %add3A, %mul3A_1 : i32
    %mul3A_3 = arith.constant 256 : i32
    %mul3A_4 = arith.muli %add3A, %mul3A_3 : i32
    "tpu.region"() ({
      %run_scoped3A = tpu.sem_alloc : memref<!tpu.dma_semaphore, #tpu.memory_space<semaphore_mem>>
      %dma_start3A_36 = arith.constant 0 : i32
      %dma_start3A_37 = tpu.memref_slice %arg2[%mul3A_4, %dma_start3A_36] : memref<8192x100xi32, #tpu.memory_space<hbm>> -> memref<256x100xi32, #tpu.memory_space<hbm>>
      %dma_start3A_38 = arith.constant 0 : i32
      %dma_start3A_39 = tpu.memref_slice %arg2[%mul3A_4, %dma_start3A_38] : memref<8192x100xi32, #tpu.memory_space<hbm>> -> memref<256x100xi32, #tpu.memory_space<hbm>>
      tpu.enqueue_dma source(%dma_start3A_39 : memref<256x100xi32, #tpu.memory_space<hbm>>) target(%arg5 : memref<256x100xi32, #tpu.memory_space<vmem>>) target_semaphore(%run_scoped3A : memref<!tpu.dma_semaphore, #tpu.memory_space<semaphore_mem>>)
      %dma_wait3A = arith.constant 0 : i32
      %dma_wait3A_40 = tpu.memref_slice %arg2[%mul3A_4, %dma_wait3A] : memref<8192x100xi32, #tpu.memory_space<hbm>> -> memref<256x100xi32, #tpu.memory_space<hbm>>
      %dma_wait3A_41 = arith.constant 0 : i32
      %dma_wait3A_42 = tpu.memref_slice %arg2[%mul3A_4, %dma_wait3A_41] : memref<8192x100xi32, #tpu.memory_space<hbm>> -> memref<256x100xi32, #tpu.memory_space<hbm>>
      tpu.wait_dma2 semaphore(%run_scoped3A : memref<!tpu.dma_semaphore, #tpu.memory_space<semaphore_mem>>) src(%dma_wait3A_42 : memref<256x100xi32, #tpu.memory_space<hbm>>) dst(%arg5 : memref<256x100xi32, #tpu.memory_space<vmem>>)
      tpu.yield
    }) : () -> ()
    %dma_start3A = arith.constant 0 : i32
    %dma_start3A_5 = arith.constant 0 : i32
    %dma_start3A_6 = tpu.memref_slice %arg5[%dma_start3A, %dma_start3A_5] : memref<256x100xi32, #tpu.memory_space<vmem>> -> memref<1x100xi32, #tpu.memory_space<vmem>>
    %dma_start3A_7 = tpu.memref_squeeze %dma_start3A_6 : memref<1x100xi32, #tpu.memory_space<vmem>> -> memref<100xi32, #tpu.memory_space<vmem>>
    %dma_start3A_8 = arith.constant 0 : i32
    %dma_start3A_9 = arith.constant 0 : i32
    %dma_start3A_10 = tpu.memref_slice %arg3[%dma_start3A_8, %dma_start3A_9] : memref<1015808x64xf32, #tpu.memory_space<hbm>> -> memref<1015808x64xf32, #tpu.memory_space<hbm>>
    tpu.enqueue_indirect_dma source(%dma_start3A_10 : memref<1015808x64xf32, #tpu.memory_space<hbm>>) target(%arg6 : memref<100x64xf32, #tpu.memory_space<vmem>>) offsets(%dma_start3A_7 : memref<100xi32, #tpu.memory_space<vmem>>) semaphore(%arg11 : memref<!tpu.dma_semaphore, #tpu.memory_space<semaphore_mem>>)
    %dma_start3A_11 = arith.constant 1 : i32
    %dma_start3A_12 = arith.constant 0 : i32
    %dma_start3A_13 = tpu.memref_slice %arg5[%dma_start3A_11, %dma_start3A_12] : memref<256x100xi32, #tpu.memory_space<vmem>> -> memref<1x100xi32, #tpu.memory_space<vmem>>
    %dma_start3A_14 = tpu.memref_squeeze %dma_start3A_13 : memref<1x100xi32, #tpu.memory_space<vmem>> -> memref<100xi32, #tpu.memory_space<vmem>>
    %dma_start3A_15 = arith.constant 0 : i32
    %dma_start3A_16 = arith.constant 0 : i32
    %dma_start3A_17 = tpu.memref_slice %arg3[%dma_start3A_15, %dma_start3A_16] : memref<1015808x64xf32, #tpu.memory_space<hbm>> -> memref<1015808x64xf32, #tpu.memory_space<hbm>>
    tpu.enqueue_indirect_dma source(%dma_start3A_17 : memref<1015808x64xf32, #tpu.memory_space<hbm>>) target(%arg7 : memref<100x64xf32, #tpu.memory_space<vmem>>) offsets(%dma_start3A_14 : memref<100xi32, #tpu.memory_space<vmem>>) semaphore(%arg12 : memref<!tpu.dma_semaphore, #tpu.memory_space<semaphore_mem>>)
    %dma_start3A_18 = arith.constant 2 : i32
    %dma_start3A_19 = arith.constant 0 : i32
    %dma_start3A_20 = tpu.memref_slice %arg5[%dma_start3A_18, %dma_start3A_19] : memref<256x100xi32, #tpu.memory_space<vmem>> -> memref<1x100xi32, #tpu.memory_space<vmem>>
    %dma_start3A_21 = tpu.memref_squeeze %dma_start3A_20 : memref<1x100xi32, #tpu.memory_space<vmem>> -> memref<100xi32, #tpu.memory_space<vmem>>
    %dma_start3A_22 = arith.constant 0 : i32
    %dma_start3A_23 = arith.constant 0 : i32
    %dma_start3A_24 = tpu.memref_slice %arg3[%dma_start3A_22, %dma_start3A_23] : memref<1015808x64xf32, #tpu.memory_space<hbm>> -> memref<1015808x64xf32, #tpu.memory_space<hbm>>
    tpu.enqueue_indirect_dma source(%dma_start3A_24 : memref<1015808x64xf32, #tpu.memory_space<hbm>>) target(%arg8 : memref<100x64xf32, #tpu.memory_space<vmem>>) offsets(%dma_start3A_21 : memref<100xi32, #tpu.memory_space<vmem>>) semaphore(%arg13 : memref<!tpu.dma_semaphore, #tpu.memory_space<semaphore_mem>>)
    %broadcast_in_dim3A = arith.constant 0.000000e+00 : f32
    %broadcast_in_dim3A_25 = vector.broadcast %broadcast_in_dim3A : f32 to vector<16xf32>
    %broadcast_in_dim3A_26 = arith.constant 0.000000e+00 : f32
    %broadcast_in_dim3A_27 = vector.broadcast %broadcast_in_dim3A_26 : f32 to vector<16xf32>
    %broadcast_in_dim3A_28 = arith.constant 0.000000e+00 : f32
    %broadcast_in_dim3A_29 = vector.broadcast %broadcast_in_dim3A_28 : f32 to vector<16xf32>
    %broadcast_in_dim3A_30 = arith.constant 0.000000e+00 : f32
    %broadcast_in_dim3A_31 = vector.broadcast %broadcast_in_dim3A_30 : f32 to vector<16xf32>
    %scan3A = arith.constant 0 : i32
    %scan3A_32 = arith.constant 64 : i32
    %scan3A_33 = arith.addi %scan3A, %scan3A_32 : i32
    %scan3A_34 = arith.constant 1 : i32
    scf.for %scan3A_36 = %scan3A to %scan3A_33 step %scan3A_34  : i32 {
      %mul3A_37 = arith.constant 1 : i32
      %mul3A_38 = arith.muli %scan3A_36, %mul3A_37 : i32
      %add3A_39 = arith.constant 0 : i32
      %add3A_40 = arith.addi %add3A_39, %mul3A_38 : i32
      %mul3A_41 = arith.constant 4 : i32
      %mul3A_42 = arith.muli %add3A_40, %mul3A_41 : i32
      %add3A_43 = arith.constant 0 : i32
      %add3A_44 = arith.addi %mul3A_42, %add3A_43 : i32
      %dma_wait3A = arith.constant 0 : i32
      %dma_wait3A_45 = tpu.memref_slice %arg5[%add3A_44, %dma_wait3A] : memref<256x100xi32, #tpu.memory_space<vmem>> -> memref<1x100xi32, #tpu.memory_space<vmem>>
      %dma_wait3A_46 = tpu.memref_squeeze %dma_wait3A_45 : memref<1x100xi32, #tpu.memory_space<vmem>> -> memref<100xi32, #tpu.memory_space<vmem>>
      %dma_wait3A_47 = arith.constant 0 : i32
      %dma_wait3A_48 = arith.constant 0 : i32
      %dma_wait3A_49 = tpu.memref_slice %arg3[%dma_wait3A_47, %dma_wait3A_48] : memref<1015808x64xf32, #tpu.memory_space<hbm>> -> memref<1015808x64xf32, #tpu.memory_space<hbm>>
      tpu.wait_indirect_dma semaphore(%arg11 : memref<!tpu.dma_semaphore, #tpu.memory_space<semaphore_mem>>) src(%dma_wait3A_49 : memref<1015808x64xf32, #tpu.memory_space<hbm>>) dst(%arg6 : memref<100x64xf32, #tpu.memory_space<vmem>>)
      %add3A_50 = arith.constant 4 : i32
      %add3A_51 = arith.addi %add3A_44, %add3A_50 : i32
      %sub3A = arith.constant 1 : i32
      %sub3A_52 = arith.subi %add3A_51, %sub3A : i32
      %lt3A = arith.constant 256 : i32
      %lt3A_53 = arith.cmpi slt, %sub3A_52, %lt3A : i32
      %convert_element_type3A = arith.extui %lt3A_53 : i1 to i32
      %cond3A = arith.constant 0 : i32
      %cond3A_54 = arith.cmpi ne, %convert_element_type3A, %cond3A : i32
      scf.if %cond3A_54 {
        %add3A_177 = arith.constant 4 : i32
        %add3A_178 = arith.addi %add3A_44, %add3A_177 : i32
        %sub3A_179 = arith.constant 1 : i32
        %sub3A_180 = arith.subi %add3A_178, %sub3A_179 : i32
        %dma_start3A_181 = arith.constant 0 : i32
        %dma_start3A_182 = tpu.memref_slice %arg5[%sub3A_180, %dma_start3A_181] : memref<256x100xi32, #tpu.memory_space<vmem>> -> memref<1x100xi32, #tpu.memory_space<vmem>>
        %dma_start3A_183 = tpu.memref_squeeze %dma_start3A_182 : memref<1x100xi32, #tpu.memory_space<vmem>> -> memref<100xi32, #tpu.memory_space<vmem>>
        %dma_start3A_184 = arith.constant 0 : i32
        %dma_start3A_185 = arith.constant 0 : i32
        %dma_start3A_186 = tpu.memref_slice %arg3[%dma_start3A_184, %dma_start3A_185] : memref<1015808x64xf32, #tpu.memory_space<hbm>> -> memref<1015808x64xf32, #tpu.memory_space<hbm>>
        tpu.enqueue_indirect_dma source(%dma_start3A_186 : memref<1015808x64xf32, #tpu.memory_space<hbm>>) target(%arg9 : memref<100x64xf32, #tpu.memory_space<vmem>>) offsets(%dma_start3A_183 : memref<100xi32, #tpu.memory_space<vmem>>) semaphore(%arg14 : memref<!tpu.dma_semaphore, #tpu.memory_space<semaphore_mem>>)
      } else {
      }
      %scan3A_55 = arith.constant 0 : i32
      %scan3A_56 = arith.constant 25 : i32
      %scan3A_57 = arith.addi %scan3A_55, %scan3A_56 : i32
      %scan3A_58 = arith.constant 1 : i32
      %scan3A_59:4 = scf.for %scan3A_177 = %scan3A_55 to %scan3A_57 step %scan3A_58 iter_args(%scan3A_178 = %broadcast_in_dim3A_25, %scan3A_179 = %broadcast_in_dim3A_27, %scan3A_180 = %broadcast_in_dim3A_29, %scan3A_181 = %broadcast_in_dim3A_31) -> (vector<16xf32>, vector<16xf32>, vector<16xf32>, vector<16xf32>)  : i32 {
        %mul3A_182 = arith.constant 4 : i32
        %mul3A_183 = arith.muli %scan3A_177, %mul3A_182 : i32
        %add3A_184 = arith.constant 0 : i32
        %add3A_185 = arith.addi %mul3A_183, %add3A_184 : i32
        %get3A = arith.index_cast %add3A_185 : i32 to index
        %get3A_186 = arith.constant 0 : index
        %get3A_187 = tpu.vector_load %arg6[%get3A, %get3A_186] {strides = array<i32>} : memref<100x64xf32, #tpu.memory_space<vmem>>, vector<1x16xf32>,
        %get3A_188 = vector.shape_cast %get3A_187 : vector<1x16xf32> to vector<16xf32>
        %add3A_189 = arith.addf %scan3A_178, %get3A_188 : vector<16xf32>
        %get3A_190 = arith.index_cast %add3A_185 : i32 to index
        %get3A_191 = arith.constant 16 : index
        %get3A_192 = tpu.vector_load %arg6[%get3A_190, %get3A_191] {strides = array<i32>} : memref<100x64xf32, #tpu.memory_space<vmem>>, vector<1x16xf32>,
        %get3A_193 = vector.shape_cast %get3A_192 : vector<1x16xf32> to vector<16xf32>
        %add3A_194 = arith.addf %scan3A_179, %get3A_193 : vector<16xf32>
        %get3A_195 = arith.index_cast %add3A_185 : i32 to index
        %get3A_196 = arith.constant 32 : index
        %get3A_197 = tpu.vector_load %arg6[%get3A_195, %get3A_196] {strides = array<i32>} : memref<100x64xf32, #tpu.memory_space<vmem>>, vector<1x16xf32>,
        %get3A_198 = vector.shape_cast %get3A_197 : vector<1x16xf32> to vector<16xf32>
        %add3A_199 = arith.addf %scan3A_180, %get3A_198 : vector<16xf32>
        %get3A_200 = arith.index_cast %add3A_185 : i32 to index
        %get3A_201 = arith.constant 48 : index
        %get3A_202 = tpu.vector_load %arg6[%get3A_200, %get3A_201] {strides = array<i32>} : memref<100x64xf32, #tpu.memory_space<vmem>>, vector<1x16xf32>,
        %get3A_203 = vector.shape_cast %get3A_202 : vector<1x16xf32> to vector<16xf32>
        %add3A_204 = arith.addf %scan3A_181, %get3A_203 : vector<16xf32>
        %mul3A_205 = arith.constant 4 : i32
        %mul3A_206 = arith.muli %scan3A_177, %mul3A_205 : i32
        %add3A_207 = arith.constant 1 : i32
        %add3A_208 = arith.addi %mul3A_206, %add3A_207 : i32
        %get3A_209 = arith.index_cast %add3A_208 : i32 to index
        %get3A_210 = arith.constant 0 : index
        %get3A_211 = tpu.vector_load %arg6[%get3A_209, %get3A_210] {strides = array<i32>} : memref<100x64xf32, #tpu.memory_space<vmem>>, vector<1x16xf32>,
        %get3A_212 = vector.shape_cast %get3A_211 : vector<1x16xf32> to vector<16xf32>
        %add3A_213 = arith.addf %add3A_189, %get3A_212 : vector<16xf32>
        %get3A_214 = arith.index_cast %add3A_208 : i32 to index
        %get3A_215 = arith.constant 16 : index
        %get3A_216 = tpu.vector_load %arg6[%get3A_214, %get3A_215] {strides = array<i32>} : memref<100x64xf32, #tpu.memory_space<vmem>>, vector<1x16xf32>,
        %get3A_217 = vector.shape_cast %get3A_216 : vector<1x16xf32> to vector<16xf32>
        %add3A_218 = arith.addf %add3A_194, %get3A_217 : vector<16xf32>
        %get3A_219 = arith.index_cast %add3A_208 : i32 to index
        %get3A_220 = arith.constant 32 : index
        %get3A_221 = tpu.vector_load %arg6[%get3A_219, %get3A_220] {strides = array<i32>} : memref<100x64xf32, #tpu.memory_space<vmem>>, vector<1x16xf32>,
        %get3A_222 = vector.shape_cast %get3A_221 : vector<1x16xf32> to vector<16xf32>
        %add3A_223 = arith.addf %add3A_199, %get3A_222 : vector<16xf32>
        %get3A_224 = arith.index_cast %add3A_208 : i32 to index
        %get3A_225 = arith.constant 48 : index
        %get3A_226 = tpu.vector_load %arg6[%get3A_224, %get3A_225] {strides = array<i32>} : memref<100x64xf32, #tpu.memory_space<vmem>>, vector<1x16xf32>,
        %get3A_227 = vector.shape_cast %get3A_226 : vector<1x16xf32> to vector<16xf32>
        %add3A_228 = arith.addf %add3A_204, %get3A_227 : vector<16xf32>
        %mul3A_229 = arith.constant 4 : i32
        %mul3A_230 = arith.muli %scan3A_177, %mul3A_229 : i32
        %add3A_231 = arith.constant 2 : i32
        %add3A_232 = arith.addi %mul3A_230, %add3A_231 : i32
        %get3A_233 = arith.index_cast %add3A_232 : i32 to index
        %get3A_234 = arith.constant 0 : index
        %get3A_235 = tpu.vector_load %arg6[%get3A_233, %get3A_234] {strides = array<i32>} : memref<100x64xf32, #tpu.memory_space<vmem>>, vector<1x16xf32>,
        %get3A_236 = vector.shape_cast %get3A_235 : vector<1x16xf32> to vector<16xf32>
        %add3A_237 = arith.addf %add3A_213, %get3A_236 : vector<16xf32>
        %get3A_238 = arith.index_cast %add3A_232 : i32 to index
        %get3A_239 = arith.constant 16 : index
        %get3A_240 = tpu.vector_load %arg6[%get3A_238, %get3A_239] {strides = array<i32>} : memref<100x64xf32, #tpu.memory_space<vmem>>, vector<1x16xf32>,
        %get3A_241 = vector.shape_cast %get3A_240 : vector<1x16xf32> to vector<16xf32>
        %add3A_242 = arith.addf %add3A_218, %get3A_241 : vector<16xf32>
        %get3A_243 = arith.index_cast %add3A_232 : i32 to index
        %get3A_244 = arith.constant 32 : index
        %get3A_245 = tpu.vector_load %arg6[%get3A_243, %get3A_244] {strides = array<i32>} : memref<100x64xf32, #tpu.memory_space<vmem>>, vector<1x16xf32>,
        %get3A_246 = vector.shape_cast %get3A_245 : vector<1x16xf32> to vector<16xf32>
        %add3A_247 = arith.addf %add3A_223, %get3A_246 : vector<16xf32>
        %get3A_248 = arith.index_cast %add3A_232 : i32 to index
        %get3A_249 = arith.constant 48 : index
        %get3A_250 = tpu.vector_load %arg6[%get3A_248, %get3A_249] {strides = array<i32>} : memref<100x64xf32, #tpu.memory_space<vmem>>, vector<1x16xf32>,
        %get3A_251 = vector.shape_cast %get3A_250 : vector<1x16xf32> to vector<16xf32>
        %add3A_252 = arith.addf %add3A_228, %get3A_251 : vector<16xf32>
        %mul3A_253 = arith.constant 4 : i32
        %mul3A_254 = arith.muli %scan3A_177, %mul3A_253 : i32
        %add3A_255 = arith.constant 3 : i32
        %add3A_256 = arith.addi %mul3A_254, %add3A_255 : i32
        %get3A_257 = arith.index_cast %add3A_256 : i32 to index
        %get3A_258 = arith.constant 0 : index
        %get3A_259 = tpu.vector_load %arg6[%get3A_257, %get3A_258] {strides = array<i32>} : memref<100x64xf32, #tpu.memory_space<vmem>>, vector<1x16xf32>,
        %get3A_260 = vector.shape_cast %get3A_259 : vector<1x16xf32> to vector<16xf32>
        %add3A_261 = arith.addf %add3A_237, %get3A_260 : vector<16xf32>
        %get3A_262 = arith.index_cast %add3A_256 : i32 to index
        %get3A_263 = arith.constant 16 : index
        %get3A_264 = tpu.vector_load %arg6[%get3A_262, %get3A_263] {strides = array<i32>} : memref<100x64xf32, #tpu.memory_space<vmem>>, vector<1x16xf32>,
        %get3A_265 = vector.shape_cast %get3A_264 : vector<1x16xf32> to vector<16xf32>
        %add3A_266 = arith.addf %add3A_242, %get3A_265 : vector<16xf32>
        %get3A_267 = arith.index_cast %add3A_256 : i32 to index
        %get3A_268 = arith.constant 32 : index
        %get3A_269 = tpu.vector_load %arg6[%get3A_267, %get3A_268] {strides = array<i32>} : memref<100x64xf32, #tpu.memory_space<vmem>>, vector<1x16xf32>,
        %get3A_270 = vector.shape_cast %get3A_269 : vector<1x16xf32> to vector<16xf32>
        %add3A_271 = arith.addf %add3A_247, %get3A_270 : vector<16xf32>
        %get3A_272 = arith.index_cast %add3A_256 : i32 to index
        %get3A_273 = arith.constant 48 : index
        %get3A_274 = tpu.vector_load %arg6[%get3A_272, %get3A_273] {strides = array<i32>} : memref<100x64xf32, #tpu.memory_space<vmem>>, vector<1x16xf32>,
        %get3A_275 = vector.shape_cast %get3A_274 : vector<1x16xf32> to vector<16xf32>
        %add3A_276 = arith.addf %add3A_252, %get3A_275 : vector<16xf32>
        scf.yield %add3A_261, %add3A_266, %add3A_271, %add3A_276 : vector<16xf32>, vector<16xf32>, vector<16xf32>, vector<16xf32>
      }
      %scan3A_60 = arith.constant 25 : i32
      %add3A_61 = arith.constant 1 : i32
      %add3A_62 = arith.addi %mul3A_42, %add3A_61 : i32
      %dma_wait3A_63 = arith.constant 0 : i32
      %dma_wait3A_64 = tpu.memref_slice %arg5[%add3A_62, %dma_wait3A_63] : memref<256x100xi32, #tpu.memory_space<vmem>> -> memref<1x100xi32, #tpu.memory_space<vmem>>
      %dma_wait3A_65 = tpu.memref_squeeze %dma_wait3A_64 : memref<1x100xi32, #tpu.memory_space<vmem>> -> memref<100xi32, #tpu.memory_space<vmem>>
      %dma_wait3A_66 = arith.constant 0 : i32
      %dma_wait3A_67 = arith.constant 0 : i32
      %dma_wait3A_68 = tpu.memref_slice %arg3[%dma_wait3A_66, %dma_wait3A_67] : memref<1015808x64xf32, #tpu.memory_space<hbm>> -> memref<1015808x64xf32, #tpu.memory_space<hbm>>
      tpu.wait_indirect_dma semaphore(%arg12 : memref<!tpu.dma_semaphore, #tpu.memory_space<semaphore_mem>>) src(%dma_wait3A_68 : memref<1015808x64xf32, #tpu.memory_space<hbm>>) dst(%arg7 : memref<100x64xf32, #tpu.memory_space<vmem>>)
      %add3A_69 = arith.constant 4 : i32
      %add3A_70 = arith.addi %add3A_62, %add3A_69 : i32
      %sub3A_71 = arith.constant 1 : i32
      %sub3A_72 = arith.subi %add3A_70, %sub3A_71 : i32
      %lt3A_73 = arith.constant 256 : i32
      %lt3A_74 = arith.cmpi slt, %sub3A_72, %lt3A_73 : i32
      %convert_element_type3A_75 = arith.extui %lt3A_74 : i1 to i32
      %cond3A_76 = arith.constant 0 : i32
      %cond3A_77 = arith.cmpi ne, %convert_element_type3A_75, %cond3A_76 : i32
      scf.if %cond3A_77 {
        %add3A_177 = arith.constant 4 : i32
        %add3A_178 = arith.addi %add3A_62, %add3A_177 : i32
        %sub3A_179 = arith.constant 1 : i32
        %sub3A_180 = arith.subi %add3A_178, %sub3A_179 : i32
        %dma_start3A_181 = arith.constant 0 : i32
        %dma_start3A_182 = tpu.memref_slice %arg5[%sub3A_180, %dma_start3A_181] : memref<256x100xi32, #tpu.memory_space<vmem>> -> memref<1x100xi32, #tpu.memory_space<vmem>>
        %dma_start3A_183 = tpu.memref_squeeze %dma_start3A_182 : memref<1x100xi32, #tpu.memory_space<vmem>> -> memref<100xi32, #tpu.memory_space<vmem>>
        %dma_start3A_184 = arith.constant 0 : i32
        %dma_start3A_185 = arith.constant 0 : i32
        %dma_start3A_186 = tpu.memref_slice %arg3[%dma_start3A_184, %dma_start3A_185] : memref<1015808x64xf32, #tpu.memory_space<hbm>> -> memref<1015808x64xf32, #tpu.memory_space<hbm>>
        tpu.enqueue_indirect_dma source(%dma_start3A_186 : memref<1015808x64xf32, #tpu.memory_space<hbm>>) target(%arg6 : memref<100x64xf32, #tpu.memory_space<vmem>>) offsets(%dma_start3A_183 : memref<100xi32, #tpu.memory_space<vmem>>) semaphore(%arg11 : memref<!tpu.dma_semaphore, #tpu.memory_space<semaphore_mem>>)
      } else {
      }
      %scan3A_78 = arith.constant 0 : i32
      %scan3A_79 = arith.constant 25 : i32
      %scan3A_80 = arith.addi %scan3A_78, %scan3A_79 : i32
      %scan3A_81 = arith.constant 1 : i32
      %scan3A_82:4 = scf.for %scan3A_177 = %scan3A_78 to %scan3A_80 step %scan3A_81 iter_args(%scan3A_178 = %scan3A_59#0, %scan3A_179 = %scan3A_59#1, %scan3A_180 = %scan3A_59#2, %scan3A_181 = %scan3A_59#3) -> (vector<16xf32>, vector<16xf32>, vector<16xf32>, vector<16xf32>)  : i32 {
        %mul3A_182 = arith.constant 4 : i32
        %mul3A_183 = arith.muli %scan3A_177, %mul3A_182 : i32
        %add3A_184 = arith.constant 0 : i32
        %add3A_185 = arith.addi %mul3A_183, %add3A_184 : i32
        %get3A = arith.index_cast %add3A_185 : i32 to index
        %get3A_186 = arith.constant 0 : index
        %get3A_187 = tpu.vector_load %arg7[%get3A, %get3A_186] {strides = array<i32>} : memref<100x64xf32, #tpu.memory_space<vmem>>, vector<1x16xf32>,
        %get3A_188 = vector.shape_cast %get3A_187 : vector<1x16xf32> to vector<16xf32>
        %add3A_189 = arith.addf %scan3A_178, %get3A_188 : vector<16xf32>
        %get3A_190 = arith.index_cast %add3A_185 : i32 to index
        %get3A_191 = arith.constant 16 : index
        %get3A_192 = tpu.vector_load %arg7[%get3A_190, %get3A_191] {strides = array<i32>} : memref<100x64xf32, #tpu.memory_space<vmem>>, vector<1x16xf32>,
        %get3A_193 = vector.shape_cast %get3A_192 : vector<1x16xf32> to vector<16xf32>
        %add3A_194 = arith.addf %scan3A_179, %get3A_193 : vector<16xf32>
        %get3A_195 = arith.index_cast %add3A_185 : i32 to index
        %get3A_196 = arith.constant 32 : index
        %get3A_197 = tpu.vector_load %arg7[%get3A_195, %get3A_196] {strides = array<i32>} : memref<100x64xf32, #tpu.memory_space<vmem>>, vector<1x16xf32>,
        %get3A_198 = vector.shape_cast %get3A_197 : vector<1x16xf32> to vector<16xf32>
        %add3A_199 = arith.addf %scan3A_180, %get3A_198 : vector<16xf32>
        %get3A_200 = arith.index_cast %add3A_185 : i32 to index
        %get3A_201 = arith.constant 48 : index
        %get3A_202 = tpu.vector_load %arg7[%get3A_200, %get3A_201] {strides = array<i32>} : memref<100x64xf32, #tpu.memory_space<vmem>>, vector<1x16xf32>,
        %get3A_203 = vector.shape_cast %get3A_202 : vector<1x16xf32> to vector<16xf32>
        %add3A_204 = arith.addf %scan3A_181, %get3A_203 : vector<16xf32>
        %mul3A_205 = arith.constant 4 : i32
        %mul3A_206 = arith.muli %scan3A_177, %mul3A_205 : i32
        %add3A_207 = arith.constant 1 : i32
        %add3A_208 = arith.addi %mul3A_206, %add3A_207 : i32
        %get3A_209 = arith.index_cast %add3A_208 : i32 to index
        %get3A_210 = arith.constant 0 : index
        %get3A_211 = tpu.vector_load %arg7[%get3A_209, %get3A_210] {strides = array<i32>} : memref<100x64xf32, #tpu.memory_space<vmem>>, vector<1x16xf32>,
        %get3A_212 = vector.shape_cast %get3A_211 : vector<1x16xf32> to vector<16xf32>
        %add3A_213 = arith.addf %add3A_189, %get3A_212 : vector<16xf32>
        %get3A_214 = arith.index_cast %add3A_208 : i32 to index
        %get3A_215 = arith.constant 16 : index
        %get3A_216 = tpu.vector_load %arg7[%get3A_214, %get3A_215] {strides = array<i32>} : memref<100x64xf32, #tpu.memory_space<vmem>>, vector<1x16xf32>,
        %get3A_217 = vector.shape_cast %get3A_216 : vector<1x16xf32> to vector<16xf32>
        %add3A_218 = arith.addf %add3A_194, %get3A_217 : vector<16xf32>
        %get3A_219 = arith.index_cast %add3A_208 : i32 to index
        %get3A_220 = arith.constant 32 : index
        %get3A_221 = tpu.vector_load %arg7[%get3A_219, %get3A_220] {strides = array<i32>} : memref<100x64xf32, #tpu.memory_space<vmem>>, vector<1x16xf32>,
        %get3A_222 = vector.shape_cast %get3A_221 : vector<1x16xf32> to vector<16xf32>
        %add3A_223 = arith.addf %add3A_199, %get3A_222 : vector<16xf32>
        %get3A_224 = arith.index_cast %add3A_208 : i32 to index
        %get3A_225 = arith.constant 48 : index
        %get3A_226 = tpu.vector_load %arg7[%get3A_224, %get3A_225] {strides = array<i32>} : memref<100x64xf32, #tpu.memory_space<vmem>>, vector<1x16xf32>,
        %get3A_227 = vector.shape_cast %get3A_226 : vector<1x16xf32> to vector<16xf32>
        %add3A_228 = arith.addf %add3A_204, %get3A_227 : vector<16xf32>
        %mul3A_229 = arith.constant 4 : i32
        %mul3A_230 = arith.muli %scan3A_177, %mul3A_229 : i32
        %add3A_231 = arith.constant 2 : i32
        %add3A_232 = arith.addi %mul3A_230, %add3A_231 : i32
        %get3A_233 = arith.index_cast %add3A_232 : i32 to index
        %get3A_234 = arith.constant 0 : index
        %get3A_235 = tpu.vector_load %arg7[%get3A_233, %get3A_234] {strides = array<i32>} : memref<100x64xf32, #tpu.memory_space<vmem>>, vector<1x16xf32>,
        %get3A_236 = vector.shape_cast %get3A_235 : vector<1x16xf32> to vector<16xf32>
        %add3A_237 = arith.addf %add3A_213, %get3A_236 : vector<16xf32>
        %get3A_238 = arith.index_cast %add3A_232 : i32 to index
        %get3A_239 = arith.constant 16 : index
        %get3A_240 = tpu.vector_load %arg7[%get3A_238, %get3A_239] {strides = array<i32>} : memref<100x64xf32, #tpu.memory_space<vmem>>, vector<1x16xf32>,
        %get3A_241 = vector.shape_cast %get3A_240 : vector<1x16xf32> to vector<16xf32>
        %add3A_242 = arith.addf %add3A_218, %get3A_241 : vector<16xf32>
        %get3A_243 = arith.index_cast %add3A_232 : i32 to index
        %get3A_244 = arith.constant 32 : index
        %get3A_245 = tpu.vector_load %arg7[%get3A_243, %get3A_244] {strides = array<i32>} : memref<100x64xf32, #tpu.memory_space<vmem>>, vector<1x16xf32>,
        %get3A_246 = vector.shape_cast %get3A_245 : vector<1x16xf32> to vector<16xf32>
        %add3A_247 = arith.addf %add3A_223, %get3A_246 : vector<16xf32>
        %get3A_248 = arith.index_cast %add3A_232 : i32 to index
        %get3A_249 = arith.constant 48 : index
        %get3A_250 = tpu.vector_load %arg7[%get3A_248, %get3A_249] {strides = array<i32>} : memref<100x64xf32, #tpu.memory_space<vmem>>, vector<1x16xf32>,
        %get3A_251 = vector.shape_cast %get3A_250 : vector<1x16xf32> to vector<16xf32>
        %add3A_252 = arith.addf %add3A_228, %get3A_251 : vector<16xf32>
        %mul3A_253 = arith.constant 4 : i32
        %mul3A_254 = arith.muli %scan3A_177, %mul3A_253 : i32
        %add3A_255 = arith.constant 3 : i32
        %add3A_256 = arith.addi %mul3A_254, %add3A_255 : i32
        %get3A_257 = arith.index_cast %add3A_256 : i32 to index
        %get3A_258 = arith.constant 0 : index
        %get3A_259 = tpu.vector_load %arg7[%get3A_257, %get3A_258] {strides = array<i32>} : memref<100x64xf32, #tpu.memory_space<vmem>>, vector<1x16xf32>,
        %get3A_260 = vector.shape_cast %get3A_259 : vector<1x16xf32> to vector<16xf32>
        %add3A_261 = arith.addf %add3A_237, %get3A_260 : vector<16xf32>
        %get3A_262 = arith.index_cast %add3A_256 : i32 to index
        %get3A_263 = arith.constant 16 : index
        %get3A_264 = tpu.vector_load %arg7[%get3A_262, %get3A_263] {strides = array<i32>} : memref<100x64xf32, #tpu.memory_space<vmem>>, vector<1x16xf32>,
        %get3A_265 = vector.shape_cast %get3A_264 : vector<1x16xf32> to vector<16xf32>
        %add3A_266 = arith.addf %add3A_242, %get3A_265 : vector<16xf32>
        %get3A_267 = arith.index_cast %add3A_256 : i32 to index
        %get3A_268 = arith.constant 32 : index
        %get3A_269 = tpu.vector_load %arg7[%get3A_267, %get3A_268] {strides = array<i32>} : memref<100x64xf32, #tpu.memory_space<vmem>>, vector<1x16xf32>,
        %get3A_270 = vector.shape_cast %get3A_269 : vector<1x16xf32> to vector<16xf32>
        %add3A_271 = arith.addf %add3A_247, %get3A_270 : vector<16xf32>
        %get3A_272 = arith.index_cast %add3A_256 : i32 to index
        %get3A_273 = arith.constant 48 : index
        %get3A_274 = tpu.vector_load %arg7[%get3A_272, %get3A_273] {strides = array<i32>} : memref<100x64xf32, #tpu.memory_space<vmem>>, vector<1x16xf32>,
        %get3A_275 = vector.shape_cast %get3A_274 : vector<1x16xf32> to vector<16xf32>
        %add3A_276 = arith.addf %add3A_252, %get3A_275 : vector<16xf32>
        scf.yield %add3A_261, %add3A_266, %add3A_271, %add3A_276 : vector<16xf32>, vector<16xf32>, vector<16xf32>, vector<16xf32>
      }
      %scan3A_83 = arith.constant 25 : i32
      %mul3A_84 = arith.constant 2 : i32
      %mul3A_85 = arith.muli %add3A_40, %mul3A_84 : i32
      %add3A_86 = arith.constant 0 : i32
      %add3A_87 = arith.addi %mul3A_85, %add3A_86 : i32
      %swap3A = arith.index_cast %add3A_87 : i32 to index
      %swap3A_88 = arith.constant 0 : index
      %swap3A_89 = tpu.vector_load %arg10[%swap3A, %swap3A_88] {strides = array<i32>} : memref<128x64xf32, #tpu.memory_space<vmem>>, vector<1x16xf32>,
      %swap3A_90 = vector.shape_cast %swap3A_89 : vector<1x16xf32> to vector<16xf32>
      %swap3A_91 = vector.shape_cast %scan3A_82#0 : vector<16xf32> to vector<1x16xf32>
      tpu.vector_store %arg10[%swap3A, %swap3A_88], %swap3A_91 {strides = array<i32>} : memref<128x64xf32, #tpu.memory_space<vmem>>, vector<1x16xf32>,
      %swap3A_92 = arith.index_cast %add3A_87 : i32 to index
      %swap3A_93 = arith.constant 16 : index
      %swap3A_94 = tpu.vector_load %arg10[%swap3A_92, %swap3A_93] {strides = array<i32>} : memref<128x64xf32, #tpu.memory_space<vmem>>, vector<1x16xf32>,
      %swap3A_95 = vector.shape_cast %swap3A_94 : vector<1x16xf32> to vector<16xf32>
      %swap3A_96 = vector.shape_cast %scan3A_82#1 : vector<16xf32> to vector<1x16xf32>
      tpu.vector_store %arg10[%swap3A_92, %swap3A_93], %swap3A_96 {strides = array<i32>} : memref<128x64xf32, #tpu.memory_space<vmem>>, vector<1x16xf32>,
      %swap3A_97 = arith.index_cast %add3A_87 : i32 to index
      %swap3A_98 = arith.constant 32 : index
      %swap3A_99 = tpu.vector_load %arg10[%swap3A_97, %swap3A_98] {strides = array<i32>} : memref<128x64xf32, #tpu.memory_space<vmem>>, vector<1x16xf32>,
      %swap3A_100 = vector.shape_cast %swap3A_99 : vector<1x16xf32> to vector<16xf32>
      %swap3A_101 = vector.shape_cast %scan3A_82#2 : vector<16xf32> to vector<1x16xf32>
      tpu.vector_store %arg10[%swap3A_97, %swap3A_98], %swap3A_101 {strides = array<i32>} : memref<128x64xf32, #tpu.memory_space<vmem>>, vector<1x16xf32>,
      %swap3A_102 = arith.index_cast %add3A_87 : i32 to index
      %swap3A_103 = arith.constant 48 : index
      %swap3A_104 = tpu.vector_load %arg10[%swap3A_102, %swap3A_103] {strides = array<i32>} : memref<128x64xf32, #tpu.memory_space<vmem>>, vector<1x16xf32>,
      %swap3A_105 = vector.shape_cast %swap3A_104 : vector<1x16xf32> to vector<16xf32>
      %swap3A_106 = vector.shape_cast %scan3A_82#3 : vector<16xf32> to vector<1x16xf32>
      tpu.vector_store %arg10[%swap3A_102, %swap3A_103], %swap3A_106 {strides = array<i32>} : memref<128x64xf32, #tpu.memory_space<vmem>>, vector<1x16xf32>,
      %add3A_107 = arith.constant 2 : i32
      %add3A_108 = arith.addi %mul3A_42, %add3A_107 : i32
      %dma_wait3A_109 = arith.constant 0 : i32
      %dma_wait3A_110 = tpu.memref_slice %arg5[%add3A_108, %dma_wait3A_109] : memref<256x100xi32, #tpu.memory_space<vmem>> -> memref<1x100xi32, #tpu.memory_space<vmem>>
      %dma_wait3A_111 = tpu.memref_squeeze %dma_wait3A_110 : memref<1x100xi32, #tpu.memory_space<vmem>> -> memref<100xi32, #tpu.memory_space<vmem>>
      %dma_wait3A_112 = arith.constant 0 : i32
      %dma_wait3A_113 = arith.constant 0 : i32
      %dma_wait3A_114 = tpu.memref_slice %arg3[%dma_wait3A_112, %dma_wait3A_113] : memref<1015808x64xf32, #tpu.memory_space<hbm>> -> memref<1015808x64xf32, #tpu.memory_space<hbm>>
      tpu.wait_indirect_dma semaphore(%arg13 : memref<!tpu.dma_semaphore, #tpu.memory_space<semaphore_mem>>) src(%dma_wait3A_114 : memref<1015808x64xf32, #tpu.memory_space<hbm>>) dst(%arg8 : memref<100x64xf32, #tpu.memory_space<vmem>>)
      %add3A_115 = arith.constant 4 : i32
      %add3A_116 = arith.addi %add3A_108, %add3A_115 : i32
      %sub3A_117 = arith.constant 1 : i32
      %sub3A_118 = arith.subi %add3A_116, %sub3A_117 : i32
      %lt3A_119 = arith.constant 256 : i32
      %lt3A_120 = arith.cmpi slt, %sub3A_118, %lt3A_119 : i32
      %convert_element_type3A_121 = arith.extui %lt3A_120 : i1 to i32
      %cond3A_122 = arith.constant 0 : i32
      %cond3A_123 = arith.cmpi ne, %convert_element_type3A_121, %cond3A_122 : i32
      scf.if %cond3A_123 {
        %add3A_177 = arith.constant 4 : i32
        %add3A_178 = arith.addi %add3A_108, %add3A_177 : i32
        %sub3A_179 = arith.constant 1 : i32
        %sub3A_180 = arith.subi %add3A_178, %sub3A_179 : i32
        %dma_start3A_181 = arith.constant 0 : i32
        %dma_start3A_182 = tpu.memref_slice %arg5[%sub3A_180, %dma_start3A_181] : memref<256x100xi32, #tpu.memory_space<vmem>> -> memref<1x100xi32, #tpu.memory_space<vmem>>
        %dma_start3A_183 = tpu.memref_squeeze %dma_start3A_182 : memref<1x100xi32, #tpu.memory_space<vmem>> -> memref<100xi32, #tpu.memory_space<vmem>>
        %dma_start3A_184 = arith.constant 0 : i32
        %dma_start3A_185 = arith.constant 0 : i32
        %dma_start3A_186 = tpu.memref_slice %arg3[%dma_start3A_184, %dma_start3A_185] : memref<1015808x64xf32, #tpu.memory_space<hbm>> -> memref<1015808x64xf32, #tpu.memory_space<hbm>>
        tpu.enqueue_indirect_dma source(%dma_start3A_186 : memref<1015808x64xf32, #tpu.memory_space<hbm>>) target(%arg7 : memref<100x64xf32, #tpu.memory_space<vmem>>) offsets(%dma_start3A_183 : memref<100xi32, #tpu.memory_space<vmem>>) semaphore(%arg12 : memref<!tpu.dma_semaphore, #tpu.memory_space<semaphore_mem>>)
      } else {
      }
      %scan3A_124 = arith.constant 0 : i32
      %scan3A_125 = arith.constant 25 : i32
      %scan3A_126 = arith.addi %scan3A_124, %scan3A_125 : i32
      %scan3A_127 = arith.constant 1 : i32
      %scan3A_128:4 = scf.for %scan3A_177 = %scan3A_124 to %scan3A_126 step %scan3A_127 iter_args(%scan3A_178 = %broadcast_in_dim3A_25, %scan3A_179 = %broadcast_in_dim3A_27, %scan3A_180 = %broadcast_in_dim3A_29, %scan3A_181 = %broadcast_in_dim3A_31) -> (vector<16xf32>, vector<16xf32>, vector<16xf32>, vector<16xf32>)  : i32 {
        %mul3A_182 = arith.constant 4 : i32
        %mul3A_183 = arith.muli %scan3A_177, %mul3A_182 : i32
        %add3A_184 = arith.constant 0 : i32
        %add3A_185 = arith.addi %mul3A_183, %add3A_184 : i32
        %get3A = arith.index_cast %add3A_185 : i32 to index
        %get3A_186 = arith.constant 0 : index
        %get3A_187 = tpu.vector_load %arg8[%get3A, %get3A_186] {strides = array<i32>} : memref<100x64xf32, #tpu.memory_space<vmem>>, vector<1x16xf32>,
        %get3A_188 = vector.shape_cast %get3A_187 : vector<1x16xf32> to vector<16xf32>
        %add3A_189 = arith.addf %scan3A_178, %get3A_188 : vector<16xf32>
        %get3A_190 = arith.index_cast %add3A_185 : i32 to index
        %get3A_191 = arith.constant 16 : index
        %get3A_192 = tpu.vector_load %arg8[%get3A_190, %get3A_191] {strides = array<i32>} : memref<100x64xf32, #tpu.memory_space<vmem>>, vector<1x16xf32>,
        %get3A_193 = vector.shape_cast %get3A_192 : vector<1x16xf32> to vector<16xf32>
        %add3A_194 = arith.addf %scan3A_179, %get3A_193 : vector<16xf32>
        %get3A_195 = arith.index_cast %add3A_185 : i32 to index
        %get3A_196 = arith.constant 32 : index
        %get3A_197 = tpu.vector_load %arg8[%get3A_195, %get3A_196] {strides = array<i32>} : memref<100x64xf32, #tpu.memory_space<vmem>>, vector<1x16xf32>,
        %get3A_198 = vector.shape_cast %get3A_197 : vector<1x16xf32> to vector<16xf32>
        %add3A_199 = arith.addf %scan3A_180, %get3A_198 : vector<16xf32>
        %get3A_200 = arith.index_cast %add3A_185 : i32 to index
        %get3A_201 = arith.constant 48 : index
        %get3A_202 = tpu.vector_load %arg8[%get3A_200, %get3A_201] {strides = array<i32>} : memref<100x64xf32, #tpu.memory_space<vmem>>, vector<1x16xf32>,
        %get3A_203 = vector.shape_cast %get3A_202 : vector<1x16xf32> to vector<16xf32>
        %add3A_204 = arith.addf %scan3A_181, %get3A_203 : vector<16xf32>
        %mul3A_205 = arith.constant 4 : i32
        %mul3A_206 = arith.muli %scan3A_177, %mul3A_205 : i32
        %add3A_207 = arith.constant 1 : i32
        %add3A_208 = arith.addi %mul3A_206, %add3A_207 : i32
        %get3A_209 = arith.index_cast %add3A_208 : i32 to index
        %get3A_210 = arith.constant 0 : index
        %get3A_211 = tpu.vector_load %arg8[%get3A_209, %get3A_210] {strides = array<i32>} : memref<100x64xf32, #tpu.memory_space<vmem>>, vector<1x16xf32>,
        %get3A_212 = vector.shape_cast %get3A_211 : vector<1x16xf32> to vector<16xf32>
        %add3A_213 = arith.addf %add3A_189, %get3A_212 : vector<16xf32>
        %get3A_214 = arith.index_cast %add3A_208 : i32 to index
        %get3A_215 = arith.constant 16 : index
        %get3A_216 = tpu.vector_load %arg8[%get3A_214, %get3A_215] {strides = array<i32>} : memref<100x64xf32, #tpu.memory_space<vmem>>, vector<1x16xf32>,
        %get3A_217 = vector.shape_cast %get3A_216 : vector<1x16xf32> to vector<16xf32>
        %add3A_218 = arith.addf %add3A_194, %get3A_217 : vector<16xf32>
        %get3A_219 = arith.index_cast %add3A_208 : i32 to index
        %get3A_220 = arith.constant 32 : index
        %get3A_221 = tpu.vector_load %arg8[%get3A_219, %get3A_220] {strides = array<i32>} : memref<100x64xf32, #tpu.memory_space<vmem>>, vector<1x16xf32>,
        %get3A_222 = vector.shape_cast %get3A_221 : vector<1x16xf32> to vector<16xf32>
        %add3A_223 = arith.addf %add3A_199, %get3A_222 : vector<16xf32>
        %get3A_224 = arith.index_cast %add3A_208 : i32 to index
        %get3A_225 = arith.constant 48 : index
        %get3A_226 = tpu.vector_load %arg8[%get3A_224, %get3A_225] {strides = array<i32>} : memref<100x64xf32, #tpu.memory_space<vmem>>, vector<1x16xf32>,
        %get3A_227 = vector.shape_cast %get3A_226 : vector<1x16xf32> to vector<16xf32>
        %add3A_228 = arith.addf %add3A_204, %get3A_227 : vector<16xf32>
        %mul3A_229 = arith.constant 4 : i32
        %mul3A_230 = arith.muli %scan3A_177, %mul3A_229 : i32
        %add3A_231 = arith.constant 2 : i32
        %add3A_232 = arith.addi %mul3A_230, %add3A_231 : i32
        %get3A_233 = arith.index_cast %add3A_232 : i32 to index
        %get3A_234 = arith.constant 0 : index
        %get3A_235 = tpu.vector_load %arg8[%get3A_233, %get3A_234] {strides = array<i32>} : memref<100x64xf32, #tpu.memory_space<vmem>>, vector<1x16xf32>,
        %get3A_236 = vector.shape_cast %get3A_235 : vector<1x16xf32> to vector<16xf32>
        %add3A_237 = arith.addf %add3A_213, %get3A_236 : vector<16xf32>
        %get3A_238 = arith.index_cast %add3A_232 : i32 to index
        %get3A_239 = arith.constant 16 : index
        %get3A_240 = tpu.vector_load %arg8[%get3A_238, %get3A_239] {strides = array<i32>} : memref<100x64xf32, #tpu.memory_space<vmem>>, vector<1x16xf32>,
        %get3A_241 = vector.shape_cast %get3A_240 : vector<1x16xf32> to vector<16xf32>
        %add3A_242 = arith.addf %add3A_218, %get3A_241 : vector<16xf32>
        %get3A_243 = arith.index_cast %add3A_232 : i32 to index
        %get3A_244 = arith.constant 32 : index
        %get3A_245 = tpu.vector_load %arg8[%get3A_243, %get3A_244] {strides = array<i32>} : memref<100x64xf32, #tpu.memory_space<vmem>>, vector<1x16xf32>,
        %get3A_246 = vector.shape_cast %get3A_245 : vector<1x16xf32> to vector<16xf32>
        %add3A_247 = arith.addf %add3A_223, %get3A_246 : vector<16xf32>
        %get3A_248 = arith.index_cast %add3A_232 : i32 to index
        %get3A_249 = arith.constant 48 : index
        %get3A_250 = tpu.vector_load %arg8[%get3A_248, %get3A_249] {strides = array<i32>} : memref<100x64xf32, #tpu.memory_space<vmem>>, vector<1x16xf32>,
        %get3A_251 = vector.shape_cast %get3A_250 : vector<1x16xf32> to vector<16xf32>
        %add3A_252 = arith.addf %add3A_228, %get3A_251 : vector<16xf32>
        %mul3A_253 = arith.constant 4 : i32
        %mul3A_254 = arith.muli %scan3A_177, %mul3A_253 : i32
        %add3A_255 = arith.constant 3 : i32
        %add3A_256 = arith.addi %mul3A_254, %add3A_255 : i32
        %get3A_257 = arith.index_cast %add3A_256 : i32 to index
        %get3A_258 = arith.constant 0 : index
        %get3A_259 = tpu.vector_load %arg8[%get3A_257, %get3A_258] {strides = array<i32>} : memref<100x64xf32, #tpu.memory_space<vmem>>, vector<1x16xf32>,
        %get3A_260 = vector.shape_cast %get3A_259 : vector<1x16xf32> to vector<16xf32>
        %add3A_261 = arith.addf %add3A_237, %get3A_260 : vector<16xf32>
        %get3A_262 = arith.index_cast %add3A_256 : i32 to index
        %get3A_263 = arith.constant 16 : index
        %get3A_264 = tpu.vector_load %arg8[%get3A_262, %get3A_263] {strides = array<i32>} : memref<100x64xf32, #tpu.memory_space<vmem>>, vector<1x16xf32>,
        %get3A_265 = vector.shape_cast %get3A_264 : vector<1x16xf32> to vector<16xf32>
        %add3A_266 = arith.addf %add3A_242, %get3A_265 : vector<16xf32>
        %get3A_267 = arith.index_cast %add3A_256 : i32 to index
        %get3A_268 = arith.constant 32 : index
        %get3A_269 = tpu.vector_load %arg8[%get3A_267, %get3A_268] {strides = array<i32>} : memref<100x64xf32, #tpu.memory_space<vmem>>, vector<1x16xf32>,
        %get3A_270 = vector.shape_cast %get3A_269 : vector<1x16xf32> to vector<16xf32>
        %add3A_271 = arith.addf %add3A_247, %get3A_270 : vector<16xf32>
        %get3A_272 = arith.index_cast %add3A_256 : i32 to index
        %get3A_273 = arith.constant 48 : index
        %get3A_274 = tpu.vector_load %arg8[%get3A_272, %get3A_273] {strides = array<i32>} : memref<100x64xf32, #tpu.memory_space<vmem>>, vector<1x16xf32>,
        %get3A_275 = vector.shape_cast %get3A_274 : vector<1x16xf32> to vector<16xf32>
        %add3A_276 = arith.addf %add3A_252, %get3A_275 : vector<16xf32>
        scf.yield %add3A_261, %add3A_266, %add3A_271, %add3A_276 : vector<16xf32>, vector<16xf32>, vector<16xf32>, vector<16xf32>
      }
      %scan3A_129 = arith.constant 25 : i32
      %add3A_130 = arith.constant 3 : i32
      %add3A_131 = arith.addi %mul3A_42, %add3A_130 : i32
      %dma_wait3A_132 = arith.constant 0 : i32
      %dma_wait3A_133 = tpu.memref_slice %arg5[%add3A_131, %dma_wait3A_132] : memref<256x100xi32, #tpu.memory_space<vmem>> -> memref<1x100xi32, #tpu.memory_space<vmem>>
      %dma_wait3A_134 = tpu.memref_squeeze %dma_wait3A_133 : memref<1x100xi32, #tpu.memory_space<vmem>> -> memref<100xi32, #tpu.memory_space<vmem>>
      %dma_wait3A_135 = arith.constant 0 : i32
      %dma_wait3A_136 = arith.constant 0 : i32
      %dma_wait3A_137 = tpu.memref_slice %arg3[%dma_wait3A_135, %dma_wait3A_136] : memref<1015808x64xf32, #tpu.memory_space<hbm>> -> memref<1015808x64xf32, #tpu.memory_space<hbm>>
      tpu.wait_indirect_dma semaphore(%arg14 : memref<!tpu.dma_semaphore, #tpu.memory_space<semaphore_mem>>) src(%dma_wait3A_137 : memref<1015808x64xf32, #tpu.memory_space<hbm>>) dst(%arg9 : memref<100x64xf32, #tpu.memory_space<vmem>>)
      %add3A_138 = arith.constant 4 : i32
      %add3A_139 = arith.addi %add3A_131, %add3A_138 : i32
      %sub3A_140 = arith.constant 1 : i32
      %sub3A_141 = arith.subi %add3A_139, %sub3A_140 : i32
      %lt3A_142 = arith.constant 256 : i32
      %lt3A_143 = arith.cmpi slt, %sub3A_141, %lt3A_142 : i32
      %convert_element_type3A_144 = arith.extui %lt3A_143 : i1 to i32
      %cond3A_145 = arith.constant 0 : i32
      %cond3A_146 = arith.cmpi ne, %convert_element_type3A_144, %cond3A_145 : i32
      scf.if %cond3A_146 {
        %add3A_177 = arith.constant 4 : i32
        %add3A_178 = arith.addi %add3A_131, %add3A_177 : i32
        %sub3A_179 = arith.constant 1 : i32
        %sub3A_180 = arith.subi %add3A_178, %sub3A_179 : i32
        %dma_start3A_181 = arith.constant 0 : i32
        %dma_start3A_182 = tpu.memref_slice %arg5[%sub3A_180, %dma_start3A_181] : memref<256x100xi32, #tpu.memory_space<vmem>> -> memref<1x100xi32, #tpu.memory_space<vmem>>
        %dma_start3A_183 = tpu.memref_squeeze %dma_start3A_182 : memref<1x100xi32, #tpu.memory_space<vmem>> -> memref<100xi32, #tpu.memory_space<vmem>>
        %dma_start3A_184 = arith.constant 0 : i32
        %dma_start3A_185 = arith.constant 0 : i32
        %dma_start3A_186 = tpu.memref_slice %arg3[%dma_start3A_184, %dma_start3A_185] : memref<1015808x64xf32, #tpu.memory_space<hbm>> -> memref<1015808x64xf32, #tpu.memory_space<hbm>>
        tpu.enqueue_indirect_dma source(%dma_start3A_186 : memref<1015808x64xf32, #tpu.memory_space<hbm>>) target(%arg8 : memref<100x64xf32, #tpu.memory_space<vmem>>) offsets(%dma_start3A_183 : memref<100xi32, #tpu.memory_space<vmem>>) semaphore(%arg13 : memref<!tpu.dma_semaphore, #tpu.memory_space<semaphore_mem>>)
      } else {
      }
      %scan3A_147 = arith.constant 0 : i32
      %scan3A_148 = arith.constant 25 : i32
      %scan3A_149 = arith.addi %scan3A_147, %scan3A_148 : i32
      %scan3A_150 = arith.constant 1 : i32
      %scan3A_151:4 = scf.for %scan3A_177 = %scan3A_147 to %scan3A_149 step %scan3A_150 iter_args(%scan3A_178 = %scan3A_128#0, %scan3A_179 = %scan3A_128#1, %scan3A_180 = %scan3A_128#2, %scan3A_181 = %scan3A_128#3) -> (vector<16xf32>, vector<16xf32>, vector<16xf32>, vector<16xf32>)  : i32 {
        %mul3A_182 = arith.constant 4 : i32
        %mul3A_183 = arith.muli %scan3A_177, %mul3A_182 : i32
        %add3A_184 = arith.constant 0 : i32
        %add3A_185 = arith.addi %mul3A_183, %add3A_184 : i32
        %get3A = arith.index_cast %add3A_185 : i32 to index
        %get3A_186 = arith.constant 0 : index
        %get3A_187 = tpu.vector_load %arg9[%get3A, %get3A_186] {strides = array<i32>} : memref<100x64xf32, #tpu.memory_space<vmem>>, vector<1x16xf32>,
        %get3A_188 = vector.shape_cast %get3A_187 : vector<1x16xf32> to vector<16xf32>
        %add3A_189 = arith.addf %scan3A_178, %get3A_188 : vector<16xf32>
        %get3A_190 = arith.index_cast %add3A_185 : i32 to index
        %get3A_191 = arith.constant 16 : index
        %get3A_192 = tpu.vector_load %arg9[%get3A_190, %get3A_191] {strides = array<i32>} : memref<100x64xf32, #tpu.memory_space<vmem>>, vector<1x16xf32>,
        %get3A_193 = vector.shape_cast %get3A_192 : vector<1x16xf32> to vector<16xf32>
        %add3A_194 = arith.addf %scan3A_179, %get3A_193 : vector<16xf32>
        %get3A_195 = arith.index_cast %add3A_185 : i32 to index
        %get3A_196 = arith.constant 32 : index
        %get3A_197 = tpu.vector_load %arg9[%get3A_195, %get3A_196] {strides = array<i32>} : memref<100x64xf32, #tpu.memory_space<vmem>>, vector<1x16xf32>,
        %get3A_198 = vector.shape_cast %get3A_197 : vector<1x16xf32> to vector<16xf32>
        %add3A_199 = arith.addf %scan3A_180, %get3A_198 : vector<16xf32>
        %get3A_200 = arith.index_cast %add3A_185 : i32 to index
        %get3A_201 = arith.constant 48 : index
        %get3A_202 = tpu.vector_load %arg9[%get3A_200, %get3A_201] {strides = array<i32>} : memref<100x64xf32, #tpu.memory_space<vmem>>, vector<1x16xf32>,
        %get3A_203 = vector.shape_cast %get3A_202 : vector<1x16xf32> to vector<16xf32>
        %add3A_204 = arith.addf %scan3A_181, %get3A_203 : vector<16xf32>
        %mul3A_205 = arith.constant 4 : i32
        %mul3A_206 = arith.muli %scan3A_177, %mul3A_205 : i32
        %add3A_207 = arith.constant 1 : i32
        %add3A_208 = arith.addi %mul3A_206, %add3A_207 : i32
        %get3A_209 = arith.index_cast %add3A_208 : i32 to index
        %get3A_210 = arith.constant 0 : index
        %get3A_211 = tpu.vector_load %arg9[%get3A_209, %get3A_210] {strides = array<i32>} : memref<100x64xf32, #tpu.memory_space<vmem>>, vector<1x16xf32>,
        %get3A_212 = vector.shape_cast %get3A_211 : vector<1x16xf32> to vector<16xf32>
        %add3A_213 = arith.addf %add3A_189, %get3A_212 : vector<16xf32>
        %get3A_214 = arith.index_cast %add3A_208 : i32 to index
        %get3A_215 = arith.constant 16 : index
        %get3A_216 = tpu.vector_load %arg9[%get3A_214, %get3A_215] {strides = array<i32>} : memref<100x64xf32, #tpu.memory_space<vmem>>, vector<1x16xf32>,
        %get3A_217 = vector.shape_cast %get3A_216 : vector<1x16xf32> to vector<16xf32>
        %add3A_218 = arith.addf %add3A_194, %get3A_217 : vector<16xf32>
        %get3A_219 = arith.index_cast %add3A_208 : i32 to index
        %get3A_220 = arith.constant 32 : index
        %get3A_221 = tpu.vector_load %arg9[%get3A_219, %get3A_220] {strides = array<i32>} : memref<100x64xf32, #tpu.memory_space<vmem>>, vector<1x16xf32>,
        %get3A_222 = vector.shape_cast %get3A_221 : vector<1x16xf32> to vector<16xf32>
        %add3A_223 = arith.addf %add3A_199, %get3A_222 : vector<16xf32>
        %get3A_224 = arith.index_cast %add3A_208 : i32 to index
        %get3A_225 = arith.constant 48 : index
        %get3A_226 = tpu.vector_load %arg9[%get3A_224, %get3A_225] {strides = array<i32>} : memref<100x64xf32, #tpu.memory_space<vmem>>, vector<1x16xf32>,
        %get3A_227 = vector.shape_cast %get3A_226 : vector<1x16xf32> to vector<16xf32>
        %add3A_228 = arith.addf %add3A_204, %get3A_227 : vector<16xf32>
        %mul3A_229 = arith.constant 4 : i32
        %mul3A_230 = arith.muli %scan3A_177, %mul3A_229 : i32
        %add3A_231 = arith.constant 2 : i32
        %add3A_232 = arith.addi %mul3A_230, %add3A_231 : i32
        %get3A_233 = arith.index_cast %add3A_232 : i32 to index
        %get3A_234 = arith.constant 0 : index
        %get3A_235 = tpu.vector_load %arg9[%get3A_233, %get3A_234] {strides = array<i32>} : memref<100x64xf32, #tpu.memory_space<vmem>>, vector<1x16xf32>,
        %get3A_236 = vector.shape_cast %get3A_235 : vector<1x16xf32> to vector<16xf32>
        %add3A_237 = arith.addf %add3A_213, %get3A_236 : vector<16xf32>
        %get3A_238 = arith.index_cast %add3A_232 : i32 to index
        %get3A_239 = arith.constant 16 : index
        %get3A_240 = tpu.vector_load %arg9[%get3A_238, %get3A_239] {strides = array<i32>} : memref<100x64xf32, #tpu.memory_space<vmem>>, vector<1x16xf32>,
        %get3A_241 = vector.shape_cast %get3A_240 : vector<1x16xf32> to vector<16xf32>
        %add3A_242 = arith.addf %add3A_218, %get3A_241 : vector<16xf32>
        %get3A_243 = arith.index_cast %add3A_232 : i32 to index
        %get3A_244 = arith.constant 32 : index
        %get3A_245 = tpu.vector_load %arg9[%get3A_243, %get3A_244] {strides = array<i32>} : memref<100x64xf32, #tpu.memory_space<vmem>>, vector<1x16xf32>,
        %get3A_246 = vector.shape_cast %get3A_245 : vector<1x16xf32> to vector<16xf32>
        %add3A_247 = arith.addf %add3A_223, %get3A_246 : vector<16xf32>
        %get3A_248 = arith.index_cast %add3A_232 : i32 to index
        %get3A_249 = arith.constant 48 : index
        %get3A_250 = tpu.vector_load %arg9[%get3A_248, %get3A_249] {strides = array<i32>} : memref<100x64xf32, #tpu.memory_space<vmem>>, vector<1x16xf32>,
        %get3A_251 = vector.shape_cast %get3A_250 : vector<1x16xf32> to vector<16xf32>
        %add3A_252 = arith.addf %add3A_228, %get3A_251 : vector<16xf32>
        %mul3A_253 = arith.constant 4 : i32
        %mul3A_254 = arith.muli %scan3A_177, %mul3A_253 : i32
        %add3A_255 = arith.constant 3 : i32
        %add3A_256 = arith.addi %mul3A_254, %add3A_255 : i32
        %get3A_257 = arith.index_cast %add3A_256 : i32 to index
        %get3A_258 = arith.constant 0 : index
        %get3A_259 = tpu.vector_load %arg9[%get3A_257, %get3A_258] {strides = array<i32>} : memref<100x64xf32, #tpu.memory_space<vmem>>, vector<1x16xf32>,
        %get3A_260 = vector.shape_cast %get3A_259 : vector<1x16xf32> to vector<16xf32>
        %add3A_261 = arith.addf %add3A_237, %get3A_260 : vector<16xf32>
        %get3A_262 = arith.index_cast %add3A_256 : i32 to index
        %get3A_263 = arith.constant 16 : index
        %get3A_264 = tpu.vector_load %arg9[%get3A_262, %get3A_263] {strides = array<i32>} : memref<100x64xf32, #tpu.memory_space<vmem>>, vector<1x16xf32>,
        %get3A_265 = vector.shape_cast %get3A_264 : vector<1x16xf32> to vector<16xf32>
        %add3A_266 = arith.addf %add3A_242, %get3A_265 : vector<16xf32>
        %get3A_267 = arith.index_cast %add3A_256 : i32 to index
        %get3A_268 = arith.constant 32 : index
        %get3A_269 = tpu.vector_load %arg9[%get3A_267, %get3A_268] {strides = array<i32>} : memref<100x64xf32, #tpu.memory_space<vmem>>, vector<1x16xf32>,
        %get3A_270 = vector.shape_cast %get3A_269 : vector<1x16xf32> to vector<16xf32>
        %add3A_271 = arith.addf %add3A_247, %get3A_270 : vector<16xf32>
        %get3A_272 = arith.index_cast %add3A_256 : i32 to index
        %get3A_273 = arith.constant 48 : index
        %get3A_274 = tpu.vector_load %arg9[%get3A_272, %get3A_273] {strides = array<i32>} : memref<100x64xf32, #tpu.memory_space<vmem>>, vector<1x16xf32>,
        %get3A_275 = vector.shape_cast %get3A_274 : vector<1x16xf32> to vector<16xf32>
        %add3A_276 = arith.addf %add3A_252, %get3A_275 : vector<16xf32>
        scf.yield %add3A_261, %add3A_266, %add3A_271, %add3A_276 : vector<16xf32>, vector<16xf32>, vector<16xf32>, vector<16xf32>
      }
      %scan3A_152 = arith.constant 25 : i32
      %mul3A_153 = arith.constant 2 : i32
      %mul3A_154 = arith.muli %add3A_40, %mul3A_153 : i32
      %add3A_155 = arith.constant 1 : i32
      %add3A_156 = arith.addi %mul3A_154, %add3A_155 : i32
      %swap3A_157 = arith.index_cast %add3A_156 : i32 to index
      %swap3A_158 = arith.constant 0 : index
      %swap3A_159 = tpu.vector_load %arg10[%swap3A_157, %swap3A_158] {strides = array<i32>} : memref<128x64xf32, #tpu.memory_space<vmem>>, vector<1x16xf32>,
      %swap3A_160 = vector.shape_cast %swap3A_159 : vector<1x16xf32> to vector<16xf32>
      %swap3A_161 = vector.shape_cast %scan3A_151#0 : vector<16xf32> to vector<1x16xf32>
      tpu.vector_store %arg10[%swap3A_157, %swap3A_158], %swap3A_161 {strides = array<i32>} : memref<128x64xf32, #tpu.memory_space<vmem>>, vector<1x16xf32>,
      %swap3A_162 = arith.index_cast %add3A_156 : i32 to index
      %swap3A_163 = arith.constant 16 : index
      %swap3A_164 = tpu.vector_load %arg10[%swap3A_162, %swap3A_163] {strides = array<i32>} : memref<128x64xf32, #tpu.memory_space<vmem>>, vector<1x16xf32>,
      %swap3A_165 = vector.shape_cast %swap3A_164 : vector<1x16xf32> to vector<16xf32>
      %swap3A_166 = vector.shape_cast %scan3A_151#1 : vector<16xf32> to vector<1x16xf32>
      tpu.vector_store %arg10[%swap3A_162, %swap3A_163], %swap3A_166 {strides = array<i32>} : memref<128x64xf32, #tpu.memory_space<vmem>>, vector<1x16xf32>,
      %swap3A_167 = arith.index_cast %add3A_156 : i32 to index
      %swap3A_168 = arith.constant 32 : index
      %swap3A_169 = tpu.vector_load %arg10[%swap3A_167, %swap3A_168] {strides = array<i32>} : memref<128x64xf32, #tpu.memory_space<vmem>>, vector<1x16xf32>,
      %swap3A_170 = vector.shape_cast %swap3A_169 : vector<1x16xf32> to vector<16xf32>
      %swap3A_171 = vector.shape_cast %scan3A_151#2 : vector<16xf32> to vector<1x16xf32>
      tpu.vector_store %arg10[%swap3A_167, %swap3A_168], %swap3A_171 {strides = array<i32>} : memref<128x64xf32, #tpu.memory_space<vmem>>, vector<1x16xf32>,
      %swap3A_172 = arith.index_cast %add3A_156 : i32 to index
      %swap3A_173 = arith.constant 48 : index
      %swap3A_174 = tpu.vector_load %arg10[%swap3A_172, %swap3A_173] {strides = array<i32>} : memref<128x64xf32, #tpu.memory_space<vmem>>, vector<1x16xf32>,
      %swap3A_175 = vector.shape_cast %swap3A_174 : vector<1x16xf32> to vector<16xf32>
      %swap3A_176 = vector.shape_cast %scan3A_151#3 : vector<16xf32> to vector<1x16xf32>
      tpu.vector_store %arg10[%swap3A_172, %swap3A_173], %swap3A_176 {strides = array<i32>} : memref<128x64xf32, #tpu.memory_space<vmem>>, vector<1x16xf32>,
    }
    %scan3A_35 = arith.constant 64 : i32
    "tpu.region"() ({
      %run_scoped3A = tpu.sem_alloc : memref<!tpu.dma_semaphore, #tpu.memory_space<semaphore_mem>>
      %dma_start3A_36 = arith.constant 0 : i32
      %dma_start3A_37 = tpu.memref_slice %arg4[%mul3A_2, %dma_start3A_36] : memref<4096x64xf32, #tpu.memory_space<hbm>> -> memref<128x64xf32, #tpu.memory_space<hbm>>
      %dma_start3A_38 = arith.constant 0 : i32
      %dma_start3A_39 = tpu.memref_slice %arg4[%mul3A_2, %dma_start3A_38] : memref<4096x64xf32, #tpu.memory_space<hbm>> -> memref<128x64xf32, #tpu.memory_space<hbm>>
      tpu.enqueue_dma source(%arg10 : memref<128x64xf32, #tpu.memory_space<vmem>>) target(%dma_start3A_39 : memref<128x64xf32, #tpu.memory_space<hbm>>) target_semaphore(%run_scoped3A : memref<!tpu.dma_semaphore, #tpu.memory_space<semaphore_mem>>)
      %dma_wait3A = arith.constant 0 : i32
      %dma_wait3A_40 = tpu.memref_slice %arg4[%mul3A_2, %dma_wait3A] : memref<4096x64xf32, #tpu.memory_space<hbm>> -> memref<128x64xf32, #tpu.memory_space<hbm>>
      %dma_wait3A_41 = arith.constant 0 : i32
      %dma_wait3A_42 = tpu.memref_slice %arg4[%mul3A_2, %dma_wait3A_41] : memref<4096x64xf32, #tpu.memory_space<hbm>> -> memref<128x64xf32, #tpu.memory_space<hbm>>
      tpu.wait_dma2 semaphore(%run_scoped3A : memref<!tpu.dma_semaphore, #tpu.memory_space<semaphore_mem>>) src(%arg10 : memref<128x64xf32, #tpu.memory_space<vmem>>) dst(%dma_wait3A_42 : memref<128x64xf32, #tpu.memory_space<hbm>>)
      tpu.yield
    }) : () -> ()
    return
  }
}

module attributes {stable_mosaic.version = 14 : i64} {
  func.func @fold_kernel(%arg0: i32, %arg1: memref<64x16384xf32, #tpu.memory_space<vmem>>, %arg2: memref<8192x128xf32, #tpu.memory_space<vmem>>) attributes {dimension_semantics = [#tpu.dimension_semantics<arbitrary>], iteration_bounds = array<i64: 62>, scalar_prefetch = 0 : i64, scratch_operands = 0 : i64, tpu.core_type = #tpu.core_type<tc>, window_params = [{transform_indices = @transform_0, window_bounds = array<i64: 64, 16384>}, {transform_indices = @transform_1, window_bounds = array<i64: 8192, 128>}]} {
    %get3A = arith.constant 0 : index
    %get3A_0 = arith.constant 0 : index
    %get3A_1 = vector.load %arg1[%get3A, %get3A_0] : memref<64x16384xf32, #tpu.memory_space<vmem>>, vector<64x8192xf32>
    %get3A_2 = arith.constant 0 : index
    %get3A_3 = arith.constant 8192 : index
    %get3A_4 = vector.load %arg1[%get3A_2, %get3A_3] : memref<64x16384xf32, #tpu.memory_space<vmem>>, vector<64x8192xf32>
    %concatenate3A = tpu.concatenate %get3A_1, %get3A_4 in 0 : vector<64x8192xf32>, vector<64x8192xf32> -> vector<128x8192xf32>
    %transpose3A = tpu.transpose %concatenate3A, [1, 0] : vector<128x8192xf32> -> vector<8192x128xf32>
    %swap3A = arith.constant 0 : index
    %swap3A_5 = arith.constant 0 : index
    %swap3A_6 = vector.load %arg2[%swap3A, %swap3A_5] : memref<8192x128xf32, #tpu.memory_space<vmem>>, vector<8192x128xf32>
    tpu.vector_store %arg2[%swap3A, %swap3A_5], %transpose3A {strides = array<i32>} : memref<8192x128xf32, #tpu.memory_space<vmem>>, vector<8192x128xf32>,
    return
  }
  func.func @transform_0(%arg0: i32) -> (i32, i32) {
    %c0_i32 = arith.constant 0 : i32
    %c0_i32_0 = arith.constant 0 : i32
    return %c0_i32, %arg0 : i32, i32
  }
  func.func @transform_1(%arg0: i32) -> (i32, i32) {
    %c0_i32 = arith.constant 0 : i32
    %c0_i32_0 = arith.constant 0 : i32
    return %arg0, %c0_i32 : i32, i32
  }
}

module attributes {stable_mosaic.version = 14 : i64} {
  func.func @head_kernel(%arg0: memref<4096x64xf32, #tpu.memory_space<vmem>>, %arg1: memref<128x64xf32, #tpu.memory_space<vmem>>, %arg2: memref<1x128xf32, #tpu.memory_space<vmem>>, %arg3: memref<4096x1xi32, #tpu.memory_space<vmem>>, %arg4: memref<1x1xf32, #tpu.memory_space<vmem>>) attributes {dimension_semantics = [], scalar_prefetch = 0 : i64, scratch_operands = 0 : i64, tpu.core_type = #tpu.core_type<tc>} {
    %get3A = arith.constant 0 : index
    %get3A_0 = arith.constant 0 : index
    %get3A_1 = vector.load %arg0[%get3A, %get3A_0] : memref<4096x64xf32, #tpu.memory_space<vmem>>, vector<4096x64xf32>
    %get3A_2 = arith.constant 0 : index
    %get3A_3 = arith.constant 0 : index
    %get3A_4 = vector.load %arg1[%get3A_2, %get3A_3] : memref<128x64xf32, #tpu.memory_space<vmem>>, vector<128x64xf32>
    %transpose3A = tpu.transpose %get3A_4, [1, 0] : vector<128x64xf32> -> vector<64x128xf32>
    %dot_general3A = arith.constant dense<0.000000e+00> : vector<4096x128xf32>
    %dot_general3A_5 = tpu.matmul %get3A_1, %transpose3A, %dot_general3A {dimension_numbers = #tpu.dot_dimension_numbers<[1], [0], [0], [1], [0, 0, 1, 1], [], []>, transpose_lhs_hint = false} : vector<4096x64xf32>, vector<64x128xf32>, vector<4096x128xf32> -> vector<4096x128xf32>
    %mul3A = arith.constant 5.000000e-03 : f32
    %mul3A_6 = vector.broadcast %mul3A : f32 to vector<4096x128xf32>
    %mul3A_7 = arith.mulf %dot_general3A_5, %mul3A_6 : vector<4096x128xf32>
    %get3A_8 = arith.constant 0 : index
    %get3A_9 = arith.constant 0 : index
    %get3A_10 = vector.load %arg2[%get3A_8, %get3A_9] : memref<1x128xf32, #tpu.memory_space<vmem>>, vector<1x128xf32>
    %add3A = vector.broadcast %get3A_10 : vector<1x128xf32> to vector<4096x128xf32>
    %add3A_11 = arith.addf %mul3A_7, %add3A : vector<4096x128xf32>
    %reduce_max3A = arith.constant dense<0xFF800000> : vector<4096xf32>
    %reduce_max3A_12 = vector.multi_reduction <maximumf>, %add3A_11, %reduce_max3A [1] : vector<4096x128xf32> to vector<4096xf32>
    %broadcast_in_dim3A = vector.shape_cast %reduce_max3A_12 : vector<4096xf32> to vector<4096x1xf32>
    %sub3A = vector.broadcast %broadcast_in_dim3A : vector<4096x1xf32> to vector<4096x128xf32>
    %sub3A_13 = arith.subf %add3A_11, %sub3A : vector<4096x128xf32>
    %exp3A = math.exp %sub3A_13 : vector<4096x128xf32>
    %reduce_sum3A = arith.constant dense<0.000000e+00> : vector<4096xf32>
    %reduce_sum3A_14 = vector.multi_reduction <add>, %exp3A, %reduce_sum3A [1] : vector<4096x128xf32> to vector<4096xf32>
    %broadcast_in_dim3A_15 = vector.shape_cast %reduce_sum3A_14 : vector<4096xf32> to vector<4096x1xf32>
    %log3A = math.log %broadcast_in_dim3A_15 : vector<4096x1xf32>
    %add3A_16 = arith.addf %log3A, %broadcast_in_dim3A : vector<4096x1xf32>
    %iota3A = tpu.iota {dimensions = array<i32: 1>} : vector<4096x128xi32>
    %get3A_17 = arith.constant 0 : index
    %get3A_18 = arith.constant 0 : index
    %get3A_19 = vector.load %arg3[%get3A_17, %get3A_18] : memref<4096x1xi32, #tpu.memory_space<vmem>>, vector<4096x1xi32>
    %eq3A = vector.broadcast %get3A_19 : vector<4096x1xi32> to vector<4096x128xi32>
    %eq3A_20 = arith.cmpi eq, %iota3A, %eq3A : vector<4096x128xi32>
    %jit3A = arith.constant 0.000000e+00 : f32
    %broadcast_in_dim3A_21 = vector.broadcast %jit3A : f32 to vector<4096x128xf32>
    %select_n3A = arith.select %eq3A_20, %add3A_11, %broadcast_in_dim3A_21 : vector<4096x128xi1>, vector<4096x128xf32>
    %reduce_sum3A_22 = arith.constant dense<0.000000e+00> : vector<4096xf32>
    %reduce_sum3A_23 = vector.multi_reduction <add>, %select_n3A, %reduce_sum3A_22 [1] : vector<4096x128xf32> to vector<4096xf32>
    %broadcast_in_dim3A_24 = vector.shape_cast %reduce_sum3A_23 : vector<4096xf32> to vector<4096x1xf32>
    %sub3A_25 = arith.subf %add3A_16, %broadcast_in_dim3A_24 : vector<4096x1xf32>
    %reduce_sum3A_26 = arith.constant dense<0.000000e+00> : vector<1xf32>
    %reduce_sum3A_27 = vector.multi_reduction <add>, %sub3A_25, %reduce_sum3A_26 [0] : vector<4096x1xf32> to vector<1xf32>
    %broadcast_in_dim3A_28 = vector.shape_cast %reduce_sum3A_27 : vector<1xf32> to vector<1x1xf32>
    %mul3A_29 = arith.constant 2.44140625E-4 : f32
    %mul3A_30 = vector.broadcast %mul3A_29 : f32 to vector<1x1xf32>
    %mul3A_31 = arith.mulf %broadcast_in_dim3A_28, %mul3A_30 : vector<1x1xf32>
    %swap3A = arith.constant 0 : index
    %swap3A_32 = arith.constant 0 : index
    %swap3A_33 = vector.load %arg4[%swap3A, %swap3A_32] : memref<1x1xf32, #tpu.memory_space<vmem>>, vector<1x1xf32>
    tpu.vector_store %arg4[%swap3A, %swap3A_32], %mul3A_31 {strides = array<i32>} : memref<1x1xf32, #tpu.memory_space<vmem>>, vector<1x1xf32>,
    return
  }
}

</mosaic_0001>

<sc_bundles>
// kernel: kernel.5.cloned.1.call-start
scs
__scs_entry_jumppad:
0x0: {  	(pc) =	sbr.rel $0x88, $3  }
0x1: {  	(tag) =	ssettag $0x0;
	lr =	simm.s32 $0x1  }
0x2: {  	[smem:$0x3F9C] =	sst lr;
	_ =	strace $0xD0000000  }
0x3: {  	_ = 	snop  }
0x4: {  	_ = 	snop  }
0x5: {  	_ = 	snop  }
0x6: {  	_ = 	snop  }
0x7: {  	_ = 	snop  }
__scs_overlays_trampoline_lowered:
0x8: {  	[smem:$0x3FAB] =	sst s0  }
0x9: {  	[smem:$0x3FAC] =	sst s1  }
0xa: {  	[smem:$0x3FAD] =	sst s2  }
0xb: {  	[smem:$0x3FAE] =	sst s3  }
0xc: {  	[smem:$0x3FAF] =	sst s4  }
0xd: {  	[smem:$0x3FB0] =	sst s5  }
0xe: {  	[smem:$0x3FB1] =	sst s6  }
0xf: {  	[smem:$0x3FB2] =	sst s7  }
0x10: {  	[smem:$0x3FB3] =	sst s8  }
0x11: {  	[smem:$0x3FB4] =	sst s9;
	s0 =	simm.s32 @!p0 $0x0  }
0x12: {  	s1 =	sld [smem:$0x3F9A];
	s0 =	simm.s32 @p0 $0x1  }
0x13: {  	[smem:$0x3FB5] =	sst s0;
	s0 =	simm.s32 @!p1 $0x0  }
0x14: {  	s2 =	sld [smem:$0x3F99];
	s0 =	simm.s32 @p1 $0x1  }
0x15: {  	[smem:$0x3FB6] =	sst s0;
	s0 =	simm.s32 @!p2 $0x0  }
0x16: {  	s3 =	sld [smem:$0x3FDB];
	s0 =	simm.s32 @p2 $0x1  }
0x17: {  	s4 =	simm.s32 $0x1BF5;
	[smem:$0x3FB8] =	sst s0  }
0x18: {  	s0 =	sld [smem:$0x3F9B];
	_ =	swait.ge [sflag:s4], $0x0  }
0x19: {  	s7 =	sld [smem:$0x3F9C]  }
0x1a: {  	s8 =	sadd.s32 $0xFFFFE003, lr  }
0x1b: {  	s9 =	sadd.s32 $0xFFFFFEF7, lr;
	s5 =	simm.s32 $0xFFFFFFFF;
	p2 =	slt.u32 s8, $0xFFFFF086  }
0x1c: {  	p1 =	slt.u32 s9, $0xF7A;
	s5 =	simm.s32 @!p2 $0x0  }
0x1d: {  	s5 =	simm.s32 @p1 $0x1;
	p0 =	seq.s32 s7, s2  }
0x1e: {  	s7 =	smul.u32 @!p0 $0xF7A, s2;
	p2 =	seq.s32 @!p0 s5, $0x0  }
0x1f: {  	s9 =	smul.u32 $0xF7A, s1;
	s8 =	simm.s32 @!p0 $0x1BF5;
	p2 =	por !p2, p0  }
0x20: {  	[sflag:s8] =	ssyncset.s32 @!p0 $0xFFFFF086;
	s6 =	sadd.s32 @!p0 s3, s7;
	s7 =	simm.s32 @!p0 $0x108  }
0x21: {  	s3 =	sadd.s32 s3, s9;
	s6 =	sadd.s32 @!p0 $0x88, s6;
	s7 =	simm.s32 @p2 $0x1082  }
0x22: {  	[simem:s7], [sflag:s8] =	dma.local @!p0 [hbm:s6], $0xF7A  }
0x23: {  	s9 =	sor.u32 $0xD0000000, s2;
	s6 =	simm.s32 $0x108;
	_ =	swait.ge @!p0 [sflag:s8], $0x0  }
0x24: {  	s3 =	sadd.s32 $0x88, s3;
	s6 =	simm.s32 @!p1 $0x1082;
	[sflag:s4] =	ssyncset.s32 $0xFFFFF086  }
0x25: {  	[simem:s6], [sflag:s4] =	dma.local [hbm:s3], $0xF7A  }
0x26: {  	[smem:$0x3F9C] =	sst s1;
	(tag) =	ssettag s2;
	_ =	strace s9  }
0x27: {  	s1 =	sld [smem:$0x3FAC]  }
0x28: {  	s2 =	sld [smem:$0x3FAD]  }
0x29: {  	s4 =	sld [smem:$0x3FAF]  }
0x2a: {  	p0 =	seq.s32 s5, $0x0;
	s5 =	sld [smem:$0x3FB0]  }
0x2b: {  	s6 =	sld [smem:$0x3FB1]  }
0x2c: {  	s7 =	sld [smem:$0x3FB2]  }
0x2d: {  	s3 =	simm.s32 $0x108;
	s8 =	sld [smem:$0x3FB3]  }
0x2e: {  	s3 =	simm.s32 @!p0 $0x1082;
	s9 =	sld [smem:$0x3FB4]  }
0x2f: {  	lr =	sadd.s32 s0, s3;
	s0 =	sld [smem:$0x3FAB]  }
0x30: {  	s3 =	sld [smem:$0x3FAE]  }
0x31: {  	[smem:$0x3FB7] =	sst s10  }
0x32: {  	s10 =	sld [smem:$0x3FB5];
	_ =	sdelay $0x3  }
0x33: {  	p0 =	seq.s32 s10, $0x1;
	s10 =	sld [smem:$0x3FB7];
	_ =	sdelay $0x3  }
0x34: {  	[smem:$0x3FB7] =	sst s10  }
0x35: {  	s10 =	sld [smem:$0x3FB6];
	_ =	sdelay $0x3  }
0x36: {  	p1 =	seq.s32 s10, $0x1;
	s10 =	sld [smem:$0x3FB7];
	_ =	sdelay $0x3  }
0x37: {  	[smem:$0x3FB7] =	sst s10  }
0x38: {  	s10 =	sld [smem:$0x3FB8]  }
0x39: {  	_ = 	snop;
	(pc) =	sbr.ind lr, $3  }
0x3a: {  	_ = 	snop  }
0x3b: {  	_ = 	snop  }
0x3c: {  	p2 =	seq.s32 s10, $0x1;
	s10 =	sld [smem:$0x3FB7]  }
0x3d: {  	_ =	shalt  }
0x3e: {  	_ =	shalt  }
0x3f: {  	_ =	shalt  }
0x40: {  	_ =	shalt  }
0x41: {  	_ =	shalt  }
0x42: {  	_ =	shalt  }
0x43: {  	_ =	shalt  }
0x44: {  	_ =	shalt  }
0x45: {  	_ =	shalt  }
0x46: {  	_ =	shalt  }
0x47: {  	_ =	shalt  }
0x48: {  	_ =	shalt  }
0x49: {  	_ =	shalt  }
0x4a: {  	_ =	shalt  }
0x4b: {  	_ =	shalt  }
0x4c: {  	_ =	shalt  }
0x4d: {  	_ =	shalt  }
0x4e: {  	_ =	shalt  }
0x4f: {  	_ =	shalt  }
0x50: {  	_ =	shalt  }
0x51: {  	_ =	shalt  }
0x52: {  	_ =	shalt  }
0x53: {  	_ =	shalt  }
0x54: {  	_ =	shalt  }
0x55: {  	_ =	shalt  }
0x56: {  	_ =	shalt  }
0x57: {  	_ =	shalt  }
0x58: {  	_ =	shalt  }
0x59: {  	_ =	shalt  }
0x5a: {  	_ =	shalt  }
0x5b: {  	_ =	shalt  }
0x5c: {  	_ =	shalt  }
0x5d: {  	_ =	shalt  }
0x5e: {  	_ =	shalt  }
0x5f: {  	_ =	shalt  }
0x60: {  	_ =	shalt  }
0x61: {  	_ =	shalt  }
0x62: {  	_ =	shalt  }
0x63: {  	_ =	shalt  }
0x64: {  	_ =	shalt  }
0x65: {  	_ =	shalt  }
0x66: {  	_ =	shalt  }
0x67: {  	_ =	shalt  }
0x68: {  	_ =	shalt  }
0x69: {  	_ =	shalt  }
0x6a: {  	_ =	shalt  }
0x6b: {  	_ =	shalt  }
0x6c: {  	_ =	shalt  }
0x6d: {  	_ =	shalt  }
0x6e: {  	_ =	shalt  }
0x6f: {  	_ =	shalt  }
0x70: {  	_ =	shalt  }
0x71: {  	_ =	shalt  }
0x72: {  	_ =	shalt  }
0x73: {  	_ =	shalt  }
0x74: {  	_ =	shalt  }
0x75: {  	_ =	shalt  }
0x76: {  	_ =	shalt  }
0x77: {  	_ =	shalt  }
0x78: {  	_ =	shalt  }
0x79: {  	_ =	shalt  }
0x7a: {  	_ =	shalt  }
0x7b: {  	_ =	shalt  }
0x7c: {  	_ =	shalt  }
0x7d: {  	_ =	shalt  }
0x7e: {  	_ =	shalt  }
0x7f: {  	_ =	shalt  }
0x80: {  	_ =	shalt  }
0x81: {  	_ =	shalt  }
0x82: {  	_ =	shalt  }
0x83: {  	_ =	shalt  }
0x84: {  	_ =	shalt  }
0x85: {  	_ =	shalt  }
0x86: {  	_ =	shalt  }
0x87: {  	_ =	shalt  }
.Lfunc_end0:
.L_simem_size_0:
called_computation_lowered:
.L_overlay_start_0:
0x88: {  	s2 =	sld [smem:$0x3FD9]  }
0x89: {  	s3 =	sld [smem:$0x3FFE];
	_ =	sdelay $0x1  }
0x8a: {  	s1 =	srdreg.scid  }
0x8b: {  	s0 =	sand.u32 $0x1, s1  }
0x8c: {  	s16 =	sshll.u32 s0, $0xA;
	s2 =	sadd.s32 s3, s2  }
0x8d: {  	s2 =	sadd.s32 s2, s16  }
0x8e: {  	[smem:$0x3FC3] =	sst s2  }
0x8f: {  	_ = 	snop  }
0x90: {  	(tm) =	ssettm $0x1  }
0x91: {  	s17 =	sld [smem:$0x3FFB];
	_ =	sdelay $0x3  }
0x92: {  	_ =	strace s17  }
0x93: {  	s2 =	sld [smem:$0x3FFC];
	_ =	sdelay $0x3  }
0x94: {  	_ =	strace s2  }
0x95: {  	s2 =	sld [smem:$0x3FFD];
	_ =	sdelay $0x3  }
0x96: {  	_ =	strace s2  }
0x97: {  	_ =	strace $0x8FFFFFFF  }
0x98: {  	s18 =	sld [smem:$0x3FDB];
	_ =	sdelay $0x1  }
0x99: {  	s19 =	simm.s32 $_scs_section_size  }
0x9a: {  	s4 =	simm.s32 $_size__tile_overlayer_lowered;
	s5 =	simm.s32 $_tile_overlayer_lowered  }
0x9b: {  	s22 =	simm.s32 $0x1BFF;
	s21 =	sshll.u32 s5, $0x1;
	s2 =	sadd.s32 s19, s18  }
0x9c: {  	s6 =	simm.s32 $0x0;
	s20 =	sshll.u32 s4, $0x1;
	s4 =	sadd.s32 s21, s2  }
0x9d: {  	[timem:s6], [sflag:s22] =	dma.local [hbm:s4], s20  }
0x9e: {  	_ =	swait.ge [sflag:s22], s20  }
0x9f: {  	s3 =	ssub.s32 $0x0, s20;
	[sflag:s22] =	ssyncset.done $0x0  }
0xa0: {  	[sflag:s22] =	ssyncadd.s32 s3;
	_ =	sdelay $0x1  }
0xa1: {  	s23 =	simm.s32 $0x1B8B  }
0xa2: {  	_ =	swait.ge [sflag:s23], $0x1  }
0xa3: {  	[sflag:s23] =	ssyncset.done $0x0  }
0xa4: {  	s25 =	simm.s32 $0x1B8E;
	s24 =	sld [smem:$0x3FFE];
	[sflag:s23] =	ssyncadd.s32 $0xFFFFFFFF  }
0xa5: {  	s26 =	simm.s32 $execute0_lowered;
	[smem:$0x3FD2] =	sst s25  }
0xa6: {  	s4 =	sshll.u32 s26, $0x1;
	_ =	strace $0x80000046;
	[dreg:$0x1] =	wrdreg $0xFFFFFFFF  }
0xa7: {  	s28 =	simm.s32 $_size_execute0_lowered;
	s2 =	sadd.s32 s2, s4;
	[dreg:$0x0] =	wrdreg $0x0  }
0xa8: {  	s4 =	sshll.u32 s28, $0x1;
	[dreg:$0x2] =	wrdreg s2  }
0xa9: {  	[dreg:$0x3] =	wrdreg s4  }
0xaa: {  	[dreg:$0x4] =	wrdreg $0xC0  }
0xab: {  	_ =	task [dreg:s6], $0x5FFFF  }
0xac: {  	[dreg:$0x1] =	wrdreg $0xFFFFFFFF  }
0xad: {  	[dreg:$0x0] =	wrdreg $0x60  }
0xae: {  	[dreg:$0x2] =	wrdreg s24  }
0xaf: {  	[dreg:$0x3] =	wrdreg $0x9  }
0xb0: {  	_ =	task.clear_ibuf [dreg:s6], $0x4FFFF;
	_ =	strace $0x90000046  }
0xb1: {  	s29 =	simm.s32 $0x9;
	_ =	strace $0x80000048  }
0xb2: {  	_ =	swait.ge [sflag:s29], $0x1  }
0xb3: {  	[sflag:s29] =	ssyncadd.s32 $0xFFFFFFFF  }
0xb4: {  	_ =	strace $0x90000048  }
0xb5: {  	_ =	sfence  }
0xb6: {  	s30 =	sld [smem:$0x0];
	_ =	sdelay $0x2  }
0xb7: {  	s31 =	sshll.u32 s1, $0xD;
	s1 =	sshrl.u32 s1, $0x2  }
0xb8: {  	s3 =	sand.u32 $0x4000, s31;
	s1 =	sadd.s32 s1, s30  }
0xb9: {  	s0 =	sor.u32 s3, s0;
	s1 =	sshll.u32 s1, $0x11  }
0xba: {  	s0 =	sor.u32 s1, s0  }
0xbb: {  	s0 =	sadd.s32 $0x8F2B, s0  }
0xbc: {  	[sflag:s0] =	ssyncadd.remote.s32 $0x1  }
0xbd: {  	_ =	sfence.sel $0xFFFF  }
0xbe: {  	[dreg:$0x0] =	wrdreg $0xFFFFFFFF;
	(pc) =	sbr.abs _section_cstart, $3  }
0xbf: {  	[dreg:$0x1] =	wrdreg $0xFFFFFFFF  }
0xc0: {  	_ =	task.clear_ibuf [dreg:s6], $0x2FFFF;
	_ =	strace $0x9FFFFFFF  }
0xc1: {  	(tm) =	ssettm $0x7FFFFFFF  }
tec
execute0_lowered:
.L_overlay_start_1:
0x0: {  	(tag) =	ssettag $0x1  }
0x1: {  	s1 =	srdreg.scid;
	s0 =	stileid.u32  }
0x2: {  	s4 =	rddreg [dreg:$0x0];
	s2 =	simm.s32 $0x0;
	s8 =	simm.s32 $0x64  }
0x3: {  	s9 =	simm.s32 $0x6800;
	s10 =	simm.s32 $0x68;
	s11 =	simm.s32 $0x8100  }
0x4: {  	s12 =	simm.s32 $0xD0;
	s13 =	simm.s32 $0x9A00;
	s14 =	simm.s32 $0x1  }
0x5: {  	s15 =	simm.s32 $0xB300;
	s16 =	simm.s32 $0x2;
	s17 =	simm.s32 $0x3  }
0x6: {  	s18 =	simm.s32 $0x4;
	s19 =	simm.s32 $0xCC00;
	s20 =	simm.s32 $0x0  }
0x7: {  	s3 =	sand.u32 $0x1, s1;
	s5 =	sshll.u32 s0, $0x1;
	[smem:$0x7FF] =	sst s2  }
0x8: {  	s1 =	rddreg [dreg:$0x1];
	s5 =	sor.u32 s3, s5;
	_ =	strace $0x80000047  }
0x9: {  	s7 =	ssub.s32 $0x2, s3;
	s6 =	smul.u32 $0xD00, s5;
	s5 =	sshll.u32 s5, $0xA  }
0xa: {  	s3 =	sadd.s32 $0x1AA00, s4;
	s31 =	sshrl.u32 s7, $0x1;
	s5 =	sadd.s32 s5, s4  }
0xb: {  	s7 =	ssub.s32 s7, s31;
	s6 =	sadd.s32 s6, s4;
	s5 =	sadd.s32 $0x7DAA00, s5  }
0xc: {  	s4 =	sadd.s32 $0xA00, s6;
	s6 =	smax.u32 s7, $0x1;
	s7 =	simm.s32 $0x5  }
.LBB2_1:
0xd: {  	[tilespmem:s2], [sflag:$0x5] =	stream.linear.gather [hbm4b:s4+s2], $0x6800, $0x38;
	[tilespmem:$0xEC00] =	vst v63  }
0xe: {  	_ =	swait.ge [sflag:s7], $0x6800  }
0xf: {  	[sflag:s7] =	ssyncset.done $0x0  }
0x10: {  	[sflag:s7] =	ssyncadd.s32 $0xFFFF9800  }
0x11: {  	[tilespmem:s9], [sflag:$0x1] =	stream.indirect.gather [hbm4b:s3+s8], $0x40, s2, s8, $0xb8;
	[tilespmem:$0xEC00] =	vst v63  }
0x12: {  	_ = 	snop  }
0x13: {  	[tilespmem:s11], [sflag:$0x2] =	stream.indirect.gather [hbm4b:s3+s8], $0x40, s10, s8, $0xb8;
	[tilespmem:$0xEC00] =	vst v63  }
0x14: {  	s21 =	simm.s32 $0x0  }
0x15: {  	[tilespmem:s13], [sflag:$0x3] =	stream.indirect.gather [hbm4b:s3+s8], $0x40, s12, s8, $0xb8;
	[tilespmem:$0xEC00] =	vst v63  }
.LBB2_2:
0x16: {  	s22 =	smul.u32 $0x680, s21  }
0x17: {  	_ =	swait.ge [sflag:s14], $0x1900  }
0x18: {  	[sflag:s14] =	ssyncset.done $0x0;
	s22 =	sshra.s32 s22, $0x2  }
0x19: {  	[sflag:s14] =	ssyncadd.s32 $0xFFFFE700;
	s23 =	sadd.s32 $0x138, s22  }
0x1a: {  	[tilespmem:s15], [sflag:$0x4] =	stream.indirect.gather [hbm4b:s3+s8], $0x40, s23, s8, $0xb8;
	[tilespmem:$0xEC00] =	vst v63  }
0x1b: {  	s23 =	simm.s32 $0x0  }
0x1c: {  	v0 =	vld [tilespmem:s23+$0x68C0]  }
0x1d: {  	v1 =	vld [tilespmem:s23+$0x68D0]  }
0x1e: {  	v2 =	vld [tilespmem:s23+$0x6880]  }
0x1f: {  	v4 =	vld [tilespmem:s23+$0x6890]  }
0x20: {  	v7 =	vld [tilespmem:s23+$0x6840]  }
0x21: {  	v8 =	vld [tilespmem:s23+$0x6850]  }
0x22: {  	v11 =	vld [tilespmem:s23+$0x6800]  }
0x23: {  	v5 =	vimm.f32 $0.0e+00;
	v13 =	vld [tilespmem:s23+$0x6810]  }
0x24: {  	s24 =	simm.s32 $0x400;
	v10 =	vimm.f32 $0.0e+00;
	v6 =	vimm.f32 $0.0e+00;
	v9 =	vimm.f32 $0.0e+00;
	v12 =	vld [tilespmem:s23+$0x6820]  }
.LBB2_3:
0x25: {  	p0 =	sne.s32 s24, $0x6000;
	v3 =	vld [tilespmem:s23+$0x6830]  }
0x26: {  	v14 =	vld [tilespmem:s23+$0x6860]  }
0x27: {  	v15 =	vld [tilespmem:s23+$0x6870]  }
0x28: {  	v16 =	vld [tilespmem:s23+$0x68A0]  }
0x29: {  	v5 =	vadd.f32 v11, v5;
	v10 =	vadd.f32 v13, v10;
	v11 =	vld [tilespmem:s23+$0x68B0]  }
0x2a: {  	v6 =	vadd.f32 v12, v6;
	v3 =	vadd.f32 v3, v9;
	v9 =	vld [tilespmem:s23+$0x68E0]  }
0x2b: {  	v5 =	vadd.f32 v7, v5;
	v7 =	vadd.f32 v8, v10;
	v8 =	vld [tilespmem:s23+$0x68F0];
	s23 =	sshra.s32 s24, $0x2  }
0x2c: {  	v6 =	vadd.f32 v14, v6;
	v12 =	vld [tilespmem:s23+$0x68C0];
	v3 =	vadd.f32 v15, v3  }
0x2d: {  	v5 =	vadd.f32 v2, v5;
	v7 =	vadd.f32 v4, v7;
	v13 =	vld [tilespmem:s23+$0x68D0]  }
0x2e: {  	v6 =	vadd.f32 v16, v6;
	v2 =	vld [tilespmem:s23+$0x6880];
	v3 =	vadd.f32 v11, v3  }
0x2f: {  	v5 =	vadd.f32 v0, v5;
	v10 =	vadd.f32 v1, v7;
	v4 =	vld [tilespmem:s23+$0x6890]  }
.Ltmp0:
0x30: {  	v6 =	vadd.f32 v9, v6;
	v7 =	vld [tilespmem:s23+$0x6840];
	v9 =	vadd.f32 v8, v3;
	(pc) =	sbr.rel @p0 .LBB2_3-.Ltmp0, $4  }
0x31: {  	v8 =	vld [tilespmem:s23+$0x6850];
	v0 =	vmov v12  }
0x32: {  	v11 =	vld [tilespmem:s23+$0x6800];
	v1 =	vmov v13  }
0x33: {  	v13 =	vld [tilespmem:s23+$0x6810]  }
0x34: {  	s24 =	sadd.s32 $0x400, s24;
	v12 =	vld [tilespmem:s23+$0x6820]  }
0x35: {  	v14 =	vld [tilespmem:s23+$0x6830]  }
0x36: {  	v15 =	vld [tilespmem:s23+$0x6860]  }
0x37: {  	v16 =	vld [tilespmem:s23+$0x6870]  }
0x38: {  	v17 =	vld [tilespmem:s23+$0x68A0]  }
0x39: {  	v18 =	vld [tilespmem:s23+$0x68B0]  }
0x3a: {  	v19 =	vld [tilespmem:s23+$0x68E0]  }
0x3b: {  	v20 =	vld [tilespmem:s23+$0x68F0];
	_ =	swait.ge [sflag:s16], $0x1900;
	p0 =	seq.s32 s21, $0x3F  }
0x3c: {  	[sflag:s16] =	ssyncset.done $0x0;
	s23 =	sadd.s32 @!p0 $0x1A0, s22  }
0x3d: {  	s24 =	simm.s32 @!p0 $0x64;
	s25 =	simm.s32 @!p0 $0x6800;
	[sflag:s16] =	ssyncadd.s32 $0xFFFFE700  }
0x3e: {  	[tilespmem:s25], [sflag:$0x1] =	stream.indirect.gather @!p0 [hbm4b:s3+s24], $0x40, s23, s24, $0xb8;
	[tilespmem:$0xEC00] =	vst v63  }
0x3f: {  	s23 =	simm.s32 $0x0  }
0x40: {  	v3 =	vld [tilespmem:s23+$0x81C0]  }
0x41: {  	v11 =	vadd.f32 v11, v5;
	v10 =	vadd.f32 v13, v10;
	v5 =	vld [tilespmem:s23+$0x81D0]  }
0x42: {  	v12 =	vadd.f32 v12, v6;
	v6 =	vld [tilespmem:s23+$0x8180];
	v9 =	vadd.f32 v14, v9  }
0x43: {  	v11 =	vadd.f32 v7, v11;
	v7 =	vld [tilespmem:s23+$0x8190];
	v10 =	vadd.f32 v8, v10  }
0x44: {  	v8 =	vld [tilespmem:s23+$0x8140];
	v12 =	vadd.f32 v15, v12;
	v9 =	vadd.f32 v16, v9  }
0x45: {  	v11 =	vadd.f32 v2, v11;
	v2 =	vld [tilespmem:s23+$0x8150];
	v4 =	vadd.f32 v4, v10  }
0x46: {  	v10 =	vld [tilespmem:s23+$0x8100];
	v12 =	vadd.f32 v17, v12;
	v13 =	vadd.f32 v18, v9  }
0x47: {  	v9 =	vadd.f32 v0, v11;
	v1 =	vadd.f32 v1, v4;
	v11 =	vld [tilespmem:s23+$0x8110]  }
0x48: {  	s24 =	simm.s32 $0x400;
	v4 =	vadd.f32 v19, v12;
	v12 =	vld [tilespmem:s23+$0x8120];
	v0 =	vadd.f32 v20, v13  }
.LBB2_5:
0x49: {  	p1 =	sne.s32 s24, $0x6000;
	v13 =	vld [tilespmem:s23+$0x8130]  }
0x4a: {  	v14 =	vld [tilespmem:s23+$0x8160]  }
0x4b: {  	v15 =	vld [tilespmem:s23+$0x8170]  }
0x4c: {  	v16 =	vld [tilespmem:s23+$0x81A0]  }
0x4d: {  	v9 =	vadd.f32 v10, v9;
	v1 =	vadd.f32 v11, v1;
	v10 =	vld [tilespmem:s23+$0x81B0]  }
0x4e: {  	v4 =	vadd.f32 v12, v4;
	v0 =	vadd.f32 v13, v0;
	v11 =	vld [tilespmem:s23+$0x81E0]  }
0x4f: {  	v8 =	vadd.f32 v8, v9;
	v1 =	vadd.f32 v2, v1;
	v2 =	vld [tilespmem:s23+$0x81F0];
	s23 =	sshra.s32 s24, $0x2  }
0x50: {  	v4 =	vadd.f32 v14, v4;
	v12 =	vld [tilespmem:s23+$0x81C0];
	v0 =	vadd.f32 v15, v0  }
0x51: {  	v8 =	vadd.f32 v6, v8;
	v1 =	vadd.f32 v7, v1;
	v13 =	vld [tilespmem:s23+$0x81D0]  }
0x52: {  	v4 =	vadd.f32 v16, v4;
	v6 =	vld [tilespmem:s23+$0x8180];
	v0 =	vadd.f32 v10, v0  }
0x53: {  	v9 =	vadd.f32 v3, v8;
	v1 =	vadd.f32 v5, v1;
	v7 =	vld [tilespmem:s23+$0x8190]  }
.Ltmp1:
0x54: {  	v4 =	vadd.f32 v11, v4;
	v8 =	vld [tilespmem:s23+$0x8140];
	v0 =	vadd.f32 v2, v0;
	(pc) =	sbr.rel @p1 .LBB2_5-.Ltmp1, $4  }
0x55: {  	v2 =	vld [tilespmem:s23+$0x8150];
	v3 =	vmov v12  }
0x56: {  	v10 =	vld [tilespmem:s23+$0x8100];
	v5 =	vmov v13  }
0x57: {  	v11 =	vld [tilespmem:s23+$0x8110]  }
0x58: {  	s24 =	sadd.s32 $0x400, s24;
	v12 =	vld [tilespmem:s23+$0x8120]  }
0x59: {  	v13 =	vld [tilespmem:s23+$0x8130]  }
0x5a: {  	v14 =	vld [tilespmem:s23+$0x8160]  }
0x5b: {  	v15 =	vld [tilespmem:s23+$0x8170];
	v9 =	vadd.f32 v10, v9  }
0x5c: {  	v10 =	vld [tilespmem:s23+$0x81A0];
	v1 =	vadd.f32 v11, v1  }
0x5d: {  	v11 =	vld [tilespmem:s23+$0x81B0];
	v4 =	vadd.f32 v12, v4;
	v8 =	vadd.f32 v8, v9  }
0x5e: {  	v9 =	vld [tilespmem:s23+$0x81E0];
	v0 =	vadd.f32 v13, v0;
	v1 =	vadd.f32 v2, v1  }
0x5f: {  	v2 =	vld [tilespmem:s23+$0x81F0];
	v4 =	vadd.f32 v14, v4;
	v6 =	vadd.f32 v6, v8  }
0x60: {  	v0 =	vadd.f32 v15, v0;
	v1 =	vadd.f32 v7, v1  }
0x61: {  	s31 =	sshll.u32 s21, $0x7;
	v4 =	vadd.f32 v10, v4;
	v3 =	vadd.f32 v3, v6  }
0x62: {  	s23 =	sand.u32 $0x3FFFFF80, s31;
	v0 =	vadd.f32 v11, v0;
	v1 =	vadd.f32 v5, v1  }
0x63: {  	v4 =	vadd.f32 v9, v4;
	[tilespmem:s23+$0xCC00] =	vst v3  }
0x64: {  	v0 =	vadd.f32 v2, v0;
	[tilespmem:s23+$0xCC10] =	vst v1  }
0x65: {  	[tilespmem:s23+$0xCC20] =	vst v4  }
0x66: {  	[tilespmem:s23+$0xCC30] =	vst v0  }
0x67: {  	_ =	swait.ge [sflag:s17], $0x1900  }
0x68: {  	s24 =	sadd.s32 @!p0 $0x208, s22;
	[sflag:s17] =	ssyncset.done $0x0  }
0x69: {  	s25 =	simm.s32 @!p0 $0x64;
	s26 =	simm.s32 @!p0 $0x8100;
	[sflag:s17] =	ssyncadd.s32 $0xFFFFE700  }
0x6a: {  	[tilespmem:s26], [sflag:$0x2] =	stream.indirect.gather @!p0 [hbm4b:s3+s25], $0x40, s24, s25, $0xb8;
	[tilespmem:$0xEC00] =	vst v63  }
0x6b: {  	s24 =	simm.s32 $0x0  }
0x6c: {  	v0 =	vld [tilespmem:s24+$0x9AC0]  }
0x6d: {  	v1 =	vld [tilespmem:s24+$0x9AD0]  }
0x6e: {  	v2 =	vld [tilespmem:s24+$0x9A80]  }
0x6f: {  	v4 =	vld [tilespmem:s24+$0x9A90]  }
0x70: {  	v7 =	vld [tilespmem:s24+$0x9A40]  }
0x71: {  	v8 =	vld [tilespmem:s24+$0x9A50]  }
0x72: {  	v11 =	vld [tilespmem:s24+$0x9A00]  }
0x73: {  	v10 =	vimm.f32 $0.0e+00;
	v13 =	vld [tilespmem:s24+$0x9A10]  }
0x74: {  	v6 =	vimm.f32 $0.0e+00;
	v5 =	vimm.f32 $0.0e+00;
	v9 =	vimm.f32 $0.0e+00;
	s25 =	simm.s32 $0x400;
	v12 =	vld [tilespmem:s24+$0x9A20]  }
.LBB2_7:
0x75: {  	p1 =	sne.s32 s25, $0x6000;
	v3 =	vld [tilespmem:s24+$0x9A30]  }
0x76: {  	v14 =	vld [tilespmem:s24+$0x9A60]  }
0x77: {  	v15 =	vld [tilespmem:s24+$0x9A70]  }
0x78: {  	v16 =	vld [tilespmem:s24+$0x9AA0]  }
0x79: {  	v5 =	vadd.f32 v11, v5;
	v10 =	vadd.f32 v13, v10;
	v11 =	vld [tilespmem:s24+$0x9AB0]  }
0x7a: {  	v6 =	vadd.f32 v12, v6;
	v3 =	vadd.f32 v3, v9;
	v9 =	vld [tilespmem:s24+$0x9AE0]  }
0x7b: {  	v5 =	vadd.f32 v7, v5;
	v7 =	vadd.f32 v8, v10;
	v8 =	vld [tilespmem:s24+$0x9AF0];
	s24 =	sshra.s32 s25, $0x2  }
0x7c: {  	v6 =	vadd.f32 v14, v6;
	v12 =	vld [tilespmem:s24+$0x9AC0];
	v3 =	vadd.f32 v15, v3  }
0x7d: {  	v5 =	vadd.f32 v2, v5;
	v7 =	vadd.f32 v4, v7;
	v13 =	vld [tilespmem:s24+$0x9AD0]  }
0x7e: {  	v6 =	vadd.f32 v16, v6;
	v2 =	vld [tilespmem:s24+$0x9A80];
	v3 =	vadd.f32 v11, v3  }
0x7f: {  	v5 =	vadd.f32 v0, v5;
	v10 =	vadd.f32 v1, v7;
	v4 =	vld [tilespmem:s24+$0x9A90]  }
.Ltmp2:
0x80: {  	v6 =	vadd.f32 v9, v6;
	v7 =	vld [tilespmem:s24+$0x9A40];
	v9 =	vadd.f32 v8, v3;
	(pc) =	sbr.rel @p1 .LBB2_7-.Ltmp2, $4  }
0x81: {  	v8 =	vld [tilespmem:s24+$0x9A50];
	v0 =	vmov v12  }
0x82: {  	v11 =	vld [tilespmem:s24+$0x9A00];
	v1 =	vmov v13  }
0x83: {  	v13 =	vld [tilespmem:s24+$0x9A10]  }
0x84: {  	s25 =	sadd.s32 $0x400, s25;
	v12 =	vld [tilespmem:s24+$0x9A20]  }
0x85: {  	v14 =	vld [tilespmem:s24+$0x9A30]  }
0x86: {  	v15 =	vld [tilespmem:s24+$0x9A60]  }
0x87: {  	v16 =	vld [tilespmem:s24+$0x9A70]  }
0x88: {  	v17 =	vld [tilespmem:s24+$0x9AA0]  }
0x89: {  	v18 =	vld [tilespmem:s24+$0x9AB0]  }
0x8a: {  	v19 =	vld [tilespmem:s24+$0x9AE0]  }
0x8b: {  	v20 =	vld [tilespmem:s24+$0x9AF0];
	_ =	swait.ge [sflag:s18], $0x1900  }
0x8c: {  	s22 =	sadd.s32 @!p0 $0x270, s22;
	[sflag:s18] =	ssyncset.done $0x0  }
0x8d: {  	s24 =	simm.s32 @!p0 $0x64;
	s25 =	simm.s32 @!p0 $0x9A00;
	[sflag:s18] =	ssyncadd.s32 $0xFFFFE700  }
0x8e: {  	[tilespmem:s25], [sflag:$0x3] =	stream.indirect.gather @!p0 [hbm4b:s3+s24], $0x40, s22, s24, $0xb8;
	[tilespmem:$0xEC00] =	vst v63  }
0x8f: {  	s22 =	simm.s32 $0x0  }
0x90: {  	v3 =	vld [tilespmem:s22+$0xB3C0]  }
0x91: {  	v11 =	vadd.f32 v11, v5;
	v10 =	vadd.f32 v13, v10;
	v5 =	vld [tilespmem:s22+$0xB3D0]  }
0x92: {  	v12 =	vadd.f32 v12, v6;
	v6 =	vld [tilespmem:s22+$0xB380];
	v9 =	vadd.f32 v14, v9  }
0x93: {  	v11 =	vadd.f32 v7, v11;
	v7 =	vld [tilespmem:s22+$0xB390];
	v10 =	vadd.f32 v8, v10  }
0x94: {  	v8 =	vld [tilespmem:s22+$0xB340];
	v12 =	vadd.f32 v15, v12;
	v9 =	vadd.f32 v16, v9  }
0x95: {  	v11 =	vadd.f32 v2, v11;
	v2 =	vld [tilespmem:s22+$0xB350];
	v4 =	vadd.f32 v4, v10  }
0x96: {  	v10 =	vld [tilespmem:s22+$0xB300];
	v12 =	vadd.f32 v17, v12;
	v13 =	vadd.f32 v18, v9  }
0x97: {  	v9 =	vadd.f32 v0, v11;
	v1 =	vadd.f32 v1, v4;
	v11 =	vld [tilespmem:s22+$0xB310]  }
0x98: {  	s24 =	simm.s32 $0x400;
	v4 =	vadd.f32 v19, v12;
	v12 =	vld [tilespmem:s22+$0xB320];
	v0 =	vadd.f32 v20, v13  }
.LBB2_9:
0x99: {  	p0 =	sne.s32 s24, $0x6000;
	v13 =	vld [tilespmem:s22+$0xB330]  }
0x9a: {  	v14 =	vld [tilespmem:s22+$0xB360]  }
0x9b: {  	v15 =	vld [tilespmem:s22+$0xB370]  }
0x9c: {  	v16 =	vld [tilespmem:s22+$0xB3A0]  }
0x9d: {  	v9 =	vadd.f32 v10, v9;
	v1 =	vadd.f32 v11, v1;
	v10 =	vld [tilespmem:s22+$0xB3B0]  }
0x9e: {  	v4 =	vadd.f32 v12, v4;
	v0 =	vadd.f32 v13, v0;
	v11 =	vld [tilespmem:s22+$0xB3E0]  }
0x9f: {  	v8 =	vadd.f32 v8, v9;
	v1 =	vadd.f32 v2, v1;
	v2 =	vld [tilespmem:s22+$0xB3F0];
	s22 =	sshra.s32 s24, $0x2  }
0xa0: {  	v4 =	vadd.f32 v14, v4;
	v12 =	vld [tilespmem:s22+$0xB3C0];
	v0 =	vadd.f32 v15, v0  }
0xa1: {  	v8 =	vadd.f32 v6, v8;
	v1 =	vadd.f32 v7, v1;
	v13 =	vld [tilespmem:s22+$0xB3D0]  }
0xa2: {  	v4 =	vadd.f32 v16, v4;
	v6 =	vld [tilespmem:s22+$0xB380];
	v0 =	vadd.f32 v10, v0  }
0xa3: {  	v9 =	vadd.f32 v3, v8;
	v1 =	vadd.f32 v5, v1;
	v7 =	vld [tilespmem:s22+$0xB390]  }
.Ltmp3:
0xa4: {  	v4 =	vadd.f32 v11, v4;
	v8 =	vld [tilespmem:s22+$0xB340];
	v0 =	vadd.f32 v2, v0;
	(pc) =	sbr.rel @p0 .LBB2_9-.Ltmp3, $4  }
0xa5: {  	v2 =	vld [tilespmem:s22+$0xB350];
	v3 =	vmov v12  }
0xa6: {  	v10 =	vld [tilespmem:s22+$0xB300];
	v5 =	vmov v13  }
0xa7: {  	v11 =	vld [tilespmem:s22+$0xB310]  }
0xa8: {  	s24 =	sadd.s32 $0x400, s24;
	v12 =	vld [tilespmem:s22+$0xB320]  }
0xa9: {  	v13 =	vld [tilespmem:s22+$0xB330]  }
0xaa: {  	v14 =	vld [tilespmem:s22+$0xB360]  }
0xab: {  	v15 =	vld [tilespmem:s22+$0xB370];
	v9 =	vadd.f32 v10, v9  }
0xac: {  	v60 =	vld [tilespmem:s22+$0xB3A0];
	v1 =	vadd.f32 v11, v1  }
0xad: {  	v61 =	vld [tilespmem:s22+$0xB3B0];
	v4 =	vadd.f32 v12, v4;
	v8 =	vadd.f32 v8, v9  }
0xae: {  	v62 =	vld [tilespmem:s22+$0xB3E0];
	v0 =	vadd.f32 v13, v0;
	v1 =	vadd.f32 v2, v1  }
0xaf: {  	v63 =	vld [tilespmem:s22+$0xB3F0];
	v4 =	vadd.f32 v14, v4;
	v6 =	vadd.f32 v6, v8  }
0xb0: {  	s21 =	sadd.s32 $0x1, s21;
	v0 =	vadd.f32 v15, v0;
	v1 =	vadd.f32 v7, v1  }
0xb1: {  	p0 =	sne.s32 s21, $0x40;
	v4 =	vadd.f32 v60, v4;
	v3 =	vadd.f32 v3, v6  }
.Ltmp4:
0xb2: {  	v0 =	vadd.f32 v61, v0;
	v1 =	vadd.f32 v5, v1;
	(pc) =	sbr.rel @p0 .LBB2_2-.Ltmp4, $4  }
0xb3: {  	v4 =	vadd.f32 v62, v4;
	[tilespmem:s23+$0xCC40] =	vst v3  }
0xb4: {  	v0 =	vadd.f32 v63, v0;
	[tilespmem:s23+$0xCC50] =	vst v1  }
0xb5: {  	[tilespmem:s23+$0xCC60] =	vst v4  }
0xb6: {  	[tilespmem:s23+$0xCC70] =	vst v0  }
0xb7: {  	s20 =	sadd.s32 $0x1, s20  }
0xb8: {  	p0 =	sne.s32 s20, s6  }
.Ltmp5:
0xb9: {  	_ = 	snop;
	(pc) =	sbr.rel @p0 .LBB2_1-.Ltmp5, $4  }
0xba: {  	[hbm4b:s5+s2] =	stream.linear.scatter [tilespmem:s19], [sflag:$0x5], $0x2000, $0x38;
	[tilespmem:$0xEC00] =	vst v63  }
0xbb: {  	_ =	swait.ge [sflag:s7], $0x2000  }
0xbc: {  	[sflag:s7] =	ssyncset.done $0x0  }
0xbd: {  	[sflag:s7] =	ssyncadd.s32 $0xFFFFE000  }
0xbe: {  	_ =	sfence.sel $0x180000  }
0xbf: {  	[bflag:$0x0] =	sbarrier.arrive $0xFFFF  }
0xc0: {  	p0 =	sne.s32 s0, $0x0;
	_ =	strace $0x90000047  }
0xc1: {  	s0 =	sadd.s32 @!p0 $0x100000, s1;
	[bflag:$0x2] =	sbarrier.arrive $0xFFFF  }
0xc2: {  	[sflag:s0] =	ssyncadd.tile.s32 @!p0 $0x1;
	_ =	shalt  }
.Lfunc_end2:
_tile_overlayer_lowered:
.L_overlay_start_2:
0xc3: {  	(tag) =	ssettag $0x2  }
0xc4: {  	s0 =	rddreg [dreg:$0x0];
	s2 =	stileid.u32  }
0xc5: {  	s1 =	rddreg [dreg:$0x1];
	p0 =	sne.s32 s2, $0x0  }
0xc6: {  	s3 =	rddreg [dreg:$0x2];
	[bflag:$0x3] =	sbarrier.arrive $0xFFFF;
	s2 =	simm.s32 @!p0 $0x1C05  }
0xc7: {  	[timem:s3], [sflag:s2] =	dma.local @!p0 [hbm:s0], s1  }
0xc8: {  	s0 =	simm.s32 @!p0 $0x5  }
0xc9: {  	_ =	swait.ge @!p0 [sflag:s0], s1  }
0xca: {  	s1 =	ssub.s32 @!p0 $0x0, s1;
	[sflag:s0] =	ssyncset.done @!p0 $0x0  }
0xcb: {  	[sflag:s0] =	ssyncadd.s32 @!p0 s1  }
0xcc: {  	[bflag:$0x3] =	sbarrier.arrive $0xFFFF  }
0xcd: {  	_ =	shalt  }

</sc_bundles>
